<compile_context>
chip_gen: v7x
topology: tpu7x:2x2x1
jax: 0.10.2.dev20260603
libtpu: 0.0.44.dev20260713+nightly
codegen_flags: <defaults>
</compile_context>

<pallas_src>
import jax
import jax.numpy as jnp
from jax import lax
from jax.experimental import pallas as pl
from jax.experimental.pallas import tpu as pltpu
from jax.experimental.pallas import tpu_sc as plsc

BATCH = 16384
N_FIELDS = 26
NUM_CORES = 2
NUM_SUBCORES = 16
LANES = 16
NW = NUM_CORES * NUM_SUBCORES
BPW = BATCH // NW
IPW = BPW * N_FIELDS
K = 4
BPC = BPW // K
IPC = BPC * N_FIELDS
SUBCHUNKS = BPC // LANES


def _body(idx_hbm, table_hbm, out_hbm, idx_v, rows_v, out_v, *sems):
    wid = lax.axis_index("s") * NUM_CORES + lax.axis_index("c")
    ibase = wid * IPW

    pltpu.sync_copy(idx_hbm.at[pl.ds(ibase, IPC)], idx_v.at[pl.ds(0, IPC)])
    copies = [None] * K
    copies[0] = pltpu.async_copy(
        table_hbm.at[idx_v.at[pl.ds(0, IPC)]], rows_v.at[pl.ds(0, IPC)], sems[0]
    )
    pltpu.sync_copy(
        idx_hbm.at[pl.ds(ibase + IPC, IPW - IPC)],
        idx_v.at[pl.ds(IPC, IPW - IPC)],
    )
    for c in range(1, K):
        copies[c] = pltpu.async_copy(
            table_hbm.at[idx_v.at[pl.ds(c * IPC, IPC)]],
            rows_v.at[pl.ds(c * IPC, IPC)],
            sems[c],
        )

    for c in range(K):
        copies[c].wait()
        cbase = c * IPC

        def step(s, carry, cbase=cbase, c=c):
            off = cbase + s * LANES
            acc = rows_v[pl.ds(off, LANES)]
            for f in range(1, N_FIELDS):
                acc = acc + rows_v[pl.ds(off + f * BPC, LANES)]
            out_v[pl.ds(c * BPC + s * LANES, LANES)] = acc
            return carry

        lax.fori_loop(0, SUBCHUNKS, step, 0)

    pltpu.sync_copy(out_v, out_hbm.at[pl.ds(wid * BPW, BPW)])


@jax.jit
def _run(idx_flat, table):
    mesh = plsc.VectorSubcoreMesh(core_axis_name="c", subcore_axis_name="s")
    k = pl.kernel(
        _body,
        mesh=mesh,
        out_type=jax.ShapeDtypeStruct((BATCH,), jnp.float32),
        scratch_types=[
            pltpu.VMEM((IPW,), jnp.int32),
            pltpu.VMEM((IPW,), jnp.float32),
            pltpu.VMEM((BPW,), jnp.float32),
        ]
        + [pltpu.SemaphoreType.DMA] * K,
    )
    return k(idx_flat, table)


def kernel(inputs, w):
    idx_flat = (
        inputs.astype(jnp.int32)
        .reshape(NW, K, BPC, N_FIELDS)
        .transpose(0, 1, 3, 2)
        .reshape(-1)
    )
    table = jnp.pad(w, ((0, 448), (0, 0))).reshape(-1)
    out = _run(idx_flat, table)
    return out.reshape(BATCH, 1)

# --- scband reference (transcript-rebuilt; emitter-appended) ---
"""Pipeline reference for scband-linear-19387482374152 (READ-ONLY COPY).

The authoritative reference and input builder live on the scoring server;
editing this copy changes nothing except your own understanding.
"""

import jax, jax.numpy as jnp
import numpy as np

FEATURE_LENGTH = 1000000
BATCH = 16384
N_FIELDS = 26


def setup_inputs(seed: int = 0) -> dict:
    key = jax.random.key(seed)
    k_idx, k_w = jax.random.split(key)
    inputs = jax.random.randint(k_idx, (BATCH, N_FIELDS), 0, FEATURE_LENGTH, dtype=jnp.int64 if jax.config.jax_enable_x64 else jnp.int32)
    # learned parameter w: (feature_length, 1), glorot-like init
    w = jax.random.normal(k_w, (FEATURE_LENGTH, 1), dtype=jnp.float32) * 0.01
    return {"inputs": inputs, "w": w}


def reference(inputs, w):
    # tf.nn.embedding_lookup(w, inputs) -> gather rows: [B, F, 1]
    gathered = jnp.take(w, inputs, axis=0)
    # reduce_sum over axis=1 (fields) -> [B, 1]
    result = jnp.sum(gathered, axis=1)
    return result

if __name__ == "__main__":
    import jax
    _d = setup_inputs()
    print(jax.jit(kernel)(*tuple(_d.values())))

</pallas_src>

<mosaic_0001>
#map = affine_map<(d0, d1) -> (0)>
module attributes {stable_mosaic.version = 14 : i64} {
  func.func @_body(%arg0: i32, %arg1: i32, %arg2: memref<425984xi32, #tpu.memory_space<hbm>>, %arg3: memref<1000448xf32, #tpu.memory_space<hbm>>, %arg4: memref<16384xf32, #tpu.memory_space<hbm>>, %arg5: memref<13312xi32, #tpu.memory_space<vmem>>, %arg6: memref<13312xf32, #tpu.memory_space<vmem>>, %arg7: memref<512xf32, #tpu.memory_space<vmem>>, %arg8: memref<!tpu.dma_semaphore, #tpu.memory_space<semaphore_mem>>, %arg9: memref<!tpu.dma_semaphore, #tpu.memory_space<semaphore_mem>>, %arg10: memref<!tpu.dma_semaphore, #tpu.memory_space<semaphore_mem>>, %arg11: memref<!tpu.dma_semaphore, #tpu.memory_space<semaphore_mem>>) attributes {dimension_semantics = [#tpu.dimension_semantics<core_parallel>, #tpu.dimension_semantics<subcore_parallel>], iteration_bounds = array<i64: 2, 16>, scalar_prefetch = 0 : i64, scratch_operands = 7 : i64, tpu.core_type = #tpu.core_type<sc_vector_subcore>, window_params = [{transform_indices = #map}, {transform_indices = #map}, {transform_indices = #map}]} {
    %mul3A = arith.constant 2 : i32
    %mul3A_0 = arith.muli %arg1, %mul3A : i32
    %add3A = arith.addi %mul3A_0, %arg0 : i32
    %mul3A_1 = arith.constant 13312 : i32
    %mul3A_2 = arith.muli %add3A, %mul3A_1 : i32
    "tpu.region"() ({
      %run_scoped3A = tpu.sem_alloc : memref<!tpu.dma_semaphore, #tpu.memory_space<semaphore_mem>>
      %dma_start3A_76 = arith.constant 0 : i32
      %dma_start3A_77 = tpu.memref_slice %arg5[%dma_start3A_76] : memref<13312xi32, #tpu.memory_space<vmem>> -> memref<3328xi32, #tpu.memory_space<vmem>>
      %dma_start3A_78 = tpu.memref_slice %arg2[%mul3A_2] : memref<425984xi32, #tpu.memory_space<hbm>> -> memref<3328xi32, #tpu.memory_space<hbm>>
      %dma_start3A_79 = arith.constant 0 : i32
      %dma_start3A_80 = tpu.memref_slice %arg5[%dma_start3A_79] : memref<13312xi32, #tpu.memory_space<vmem>> -> memref<3328xi32, #tpu.memory_space<vmem>>
      %dma_start3A_81 = tpu.memref_slice %arg2[%mul3A_2] : memref<425984xi32, #tpu.memory_space<hbm>> -> memref<3328xi32, #tpu.memory_space<hbm>>
      tpu.enqueue_dma source(%dma_start3A_81 : memref<3328xi32, #tpu.memory_space<hbm>>) target(%dma_start3A_80 : memref<3328xi32, #tpu.memory_space<vmem>>) target_semaphore(%run_scoped3A : memref<!tpu.dma_semaphore, #tpu.memory_space<semaphore_mem>>)
      %dma_wait3A_82 = arith.constant 0 : i32
      %dma_wait3A_83 = tpu.memref_slice %arg5[%dma_wait3A_82] : memref<13312xi32, #tpu.memory_space<vmem>> -> memref<3328xi32, #tpu.memory_space<vmem>>
      %dma_wait3A_84 = tpu.memref_slice %arg2[%mul3A_2] : memref<425984xi32, #tpu.memory_space<hbm>> -> memref<3328xi32, #tpu.memory_space<hbm>>
      %dma_wait3A_85 = arith.constant 0 : i32
      %dma_wait3A_86 = tpu.memref_slice %arg5[%dma_wait3A_85] : memref<13312xi32, #tpu.memory_space<vmem>> -> memref<3328xi32, #tpu.memory_space<vmem>>
      %dma_wait3A_87 = tpu.memref_slice %arg2[%mul3A_2] : memref<425984xi32, #tpu.memory_space<hbm>> -> memref<3328xi32, #tpu.memory_space<hbm>>
      tpu.wait_dma2 semaphore(%run_scoped3A : memref<!tpu.dma_semaphore, #tpu.memory_space<semaphore_mem>>) src(%dma_wait3A_87 : memref<3328xi32, #tpu.memory_space<hbm>>) dst(%dma_wait3A_86 : memref<3328xi32, #tpu.memory_space<vmem>>)
      tpu.yield
    }) : () -> ()
    %dma_start3A = arith.constant 0 : i32
    %dma_start3A_3 = tpu.memref_slice %arg6[%dma_start3A] : memref<13312xf32, #tpu.memory_space<vmem>> -> memref<3328xf32, #tpu.memory_space<vmem>>
    %dma_start3A_4 = arith.constant 0 : i32
    %dma_start3A_5 = tpu.memref_slice %arg5[%dma_start3A_4] : memref<13312xi32, #tpu.memory_space<vmem>> -> memref<3328xi32, #tpu.memory_space<vmem>>
    %dma_start3A_6 = arith.constant 0 : i32
    %dma_start3A_7 = tpu.memref_slice %arg3[%dma_start3A_6] : memref<1000448xf32, #tpu.memory_space<hbm>> -> memref<1000448xf32, #tpu.memory_space<hbm>>
    tpu.enqueue_indirect_dma source(%dma_start3A_7 : memref<1000448xf32, #tpu.memory_space<hbm>>) target(%dma_start3A_3 : memref<3328xf32, #tpu.memory_space<vmem>>) offsets(%dma_start3A_5 : memref<3328xi32, #tpu.memory_space<vmem>>) semaphore(%arg8 : memref<!tpu.dma_semaphore, #tpu.memory_space<semaphore_mem>>)
    %add3A_8 = arith.constant 3328 : i32
    %add3A_9 = arith.addi %mul3A_2, %add3A_8 : i32
    "tpu.region"() ({
      %run_scoped3A = tpu.sem_alloc : memref<!tpu.dma_semaphore, #tpu.memory_space<semaphore_mem>>
      %dma_start3A_76 = arith.constant 3328 : i32
      %dma_start3A_77 = tpu.memref_slice %arg5[%dma_start3A_76] : memref<13312xi32, #tpu.memory_space<vmem>> -> memref<9984xi32, #tpu.memory_space<vmem>>
      %dma_start3A_78 = tpu.memref_slice %arg2[%add3A_9] : memref<425984xi32, #tpu.memory_space<hbm>> -> memref<9984xi32, #tpu.memory_space<hbm>>
      %dma_start3A_79 = arith.constant 3328 : i32
      %dma_start3A_80 = tpu.memref_slice %arg5[%dma_start3A_79] : memref<13312xi32, #tpu.memory_space<vmem>> -> memref<9984xi32, #tpu.memory_space<vmem>>
      %dma_start3A_81 = tpu.memref_slice %arg2[%add3A_9] : memref<425984xi32, #tpu.memory_space<hbm>> -> memref<9984xi32, #tpu.memory_space<hbm>>
      tpu.enqueue_dma source(%dma_start3A_81 : memref<9984xi32, #tpu.memory_space<hbm>>) target(%dma_start3A_80 : memref<9984xi32, #tpu.memory_space<vmem>>) target_semaphore(%run_scoped3A : memref<!tpu.dma_semaphore, #tpu.memory_space<semaphore_mem>>)
      %dma_wait3A_82 = arith.constant 3328 : i32
      %dma_wait3A_83 = tpu.memref_slice %arg5[%dma_wait3A_82] : memref<13312xi32, #tpu.memory_space<vmem>> -> memref<9984xi32, #tpu.memory_space<vmem>>
      %dma_wait3A_84 = tpu.memref_slice %arg2[%add3A_9] : memref<425984xi32, #tpu.memory_space<hbm>> -> memref<9984xi32, #tpu.memory_space<hbm>>
      %dma_wait3A_85 = arith.constant 3328 : i32
      %dma_wait3A_86 = tpu.memref_slice %arg5[%dma_wait3A_85] : memref<13312xi32, #tpu.memory_space<vmem>> -> memref<9984xi32, #tpu.memory_space<vmem>>
      %dma_wait3A_87 = tpu.memref_slice %arg2[%add3A_9] : memref<425984xi32, #tpu.memory_space<hbm>> -> memref<9984xi32, #tpu.memory_space<hbm>>
      tpu.wait_dma2 semaphore(%run_scoped3A : memref<!tpu.dma_semaphore, #tpu.memory_space<semaphore_mem>>) src(%dma_wait3A_87 : memref<9984xi32, #tpu.memory_space<hbm>>) dst(%dma_wait3A_86 : memref<9984xi32, #tpu.memory_space<vmem>>)
      tpu.yield
    }) : () -> ()
    %dma_start3A_10 = arith.constant 3328 : i32
    %dma_start3A_11 = tpu.memref_slice %arg6[%dma_start3A_10] : memref<13312xf32, #tpu.memory_space<vmem>> -> memref<3328xf32, #tpu.memory_space<vmem>>
    %dma_start3A_12 = arith.constant 3328 : i32
    %dma_start3A_13 = tpu.memref_slice %arg5[%dma_start3A_12] : memref<13312xi32, #tpu.memory_space<vmem>> -> memref<3328xi32, #tpu.memory_space<vmem>>
    %dma_start3A_14 = arith.constant 0 : i32
    %dma_start3A_15 = tpu.memref_slice %arg3[%dma_start3A_14] : memref<1000448xf32, #tpu.memory_space<hbm>> -> memref<1000448xf32, #tpu.memory_space<hbm>>
    tpu.enqueue_indirect_dma source(%dma_start3A_15 : memref<1000448xf32, #tpu.memory_space<hbm>>) target(%dma_start3A_11 : memref<3328xf32, #tpu.memory_space<vmem>>) offsets(%dma_start3A_13 : memref<3328xi32, #tpu.memory_space<vmem>>) semaphore(%arg9 : memref<!tpu.dma_semaphore, #tpu.memory_space<semaphore_mem>>)
    %dma_start3A_16 = arith.constant 6656 : i32
    %dma_start3A_17 = tpu.memref_slice %arg6[%dma_start3A_16] : memref<13312xf32, #tpu.memory_space<vmem>> -> memref<3328xf32, #tpu.memory_space<vmem>>
    %dma_start3A_18 = arith.constant 6656 : i32
    %dma_start3A_19 = tpu.memref_slice %arg5[%dma_start3A_18] : memref<13312xi32, #tpu.memory_space<vmem>> -> memref<3328xi32, #tpu.memory_space<vmem>>
    %dma_start3A_20 = arith.constant 0 : i32
    %dma_start3A_21 = tpu.memref_slice %arg3[%dma_start3A_20] : memref<1000448xf32, #tpu.memory_space<hbm>> -> memref<1000448xf32, #tpu.memory_space<hbm>>
    tpu.enqueue_indirect_dma source(%dma_start3A_21 : memref<1000448xf32, #tpu.memory_space<hbm>>) target(%dma_start3A_17 : memref<3328xf32, #tpu.memory_space<vmem>>) offsets(%dma_start3A_19 : memref<3328xi32, #tpu.memory_space<vmem>>) semaphore(%arg10 : memref<!tpu.dma_semaphore, #tpu.memory_space<semaphore_mem>>)
    %dma_start3A_22 = arith.constant 9984 : i32
    %dma_start3A_23 = tpu.memref_slice %arg6[%dma_start3A_22] : memref<13312xf32, #tpu.memory_space<vmem>> -> memref<3328xf32, #tpu.memory_space<vmem>>
    %dma_start3A_24 = arith.constant 9984 : i32
    %dma_start3A_25 = tpu.memref_slice %arg5[%dma_start3A_24] : memref<13312xi32, #tpu.memory_space<vmem>> -> memref<3328xi32, #tpu.memory_space<vmem>>
    %dma_start3A_26 = arith.constant 0 : i32
    %dma_start3A_27 = tpu.memref_slice %arg3[%dma_start3A_26] : memref<1000448xf32, #tpu.memory_space<hbm>> -> memref<1000448xf32, #tpu.memory_space<hbm>>
    tpu.enqueue_indirect_dma source(%dma_start3A_27 : memref<1000448xf32, #tpu.memory_space<hbm>>) target(%dma_start3A_23 : memref<3328xf32, #tpu.memory_space<vmem>>) offsets(%dma_start3A_25 : memref<3328xi32, #tpu.memory_space<vmem>>) semaphore(%arg11 : memref<!tpu.dma_semaphore, #tpu.memory_space<semaphore_mem>>)
    %dma_wait3A = arith.constant 0 : i32
    %dma_wait3A_28 = tpu.memref_slice %arg6[%dma_wait3A] : memref<13312xf32, #tpu.memory_space<vmem>> -> memref<3328xf32, #tpu.memory_space<vmem>>
    %dma_wait3A_29 = arith.constant 0 : i32
    %dma_wait3A_30 = tpu.memref_slice %arg5[%dma_wait3A_29] : memref<13312xi32, #tpu.memory_space<vmem>> -> memref<3328xi32, #tpu.memory_space<vmem>>
    %dma_wait3A_31 = arith.constant 0 : i32
    %dma_wait3A_32 = tpu.memref_slice %arg3[%dma_wait3A_31] : memref<1000448xf32, #tpu.memory_space<hbm>> -> memref<1000448xf32, #tpu.memory_space<hbm>>
    tpu.wait_indirect_dma semaphore(%arg8 : memref<!tpu.dma_semaphore, #tpu.memory_space<semaphore_mem>>) src(%dma_wait3A_32 : memref<1000448xf32, #tpu.memory_space<hbm>>) dst(%dma_wait3A_28 : memref<3328xf32, #tpu.memory_space<vmem>>)
    %scan3A = arith.constant 0 : i32
    %scan3A_33 = arith.constant 0 : i32
    %scan3A_34 = arith.constant 8 : i32
    %scan3A_35 = arith.addi %scan3A_33, %scan3A_34 : i32
    %scan3A_36 = arith.constant 1 : i32
    scf.for %scan3A_76 = %scan3A_33 to %scan3A_35 step %scan3A_36  : i32 {
      %mul3A_77 = arith.constant 16 : i32
      %mul3A_78 = arith.muli %scan3A_76, %mul3A_77 : i32
      %add3A_79 = arith.constant 0 : i32
      %add3A_80 = arith.addi %add3A_79, %mul3A_78 : i32
      %get3A = arith.index_cast %add3A_80 : i32 to index
      %get3A_81 = tpu.vector_load %arg6[%get3A] {strides = array<i32>} : memref<13312xf32, #tpu.memory_space<vmem>>, vector<16xf32>,
      %get3A_82 = vector.shape_cast %get3A_81 : vector<16xf32> to vector<16xf32>
      %add3A_83 = arith.constant 128 : i32
      %add3A_84 = arith.addi %add3A_80, %add3A_83 : i32
      %get3A_85 = arith.index_cast %add3A_84 : i32 to index
      %get3A_86 = tpu.vector_load %arg6[%get3A_85] {strides = array<i32>} : memref<13312xf32, #tpu.memory_space<vmem>>, vector<16xf32>,
      %get3A_87 = vector.shape_cast %get3A_86 : vector<16xf32> to vector<16xf32>
      %add3A_88 = arith.addf %get3A_82, %get3A_87 : vector<16xf32>
      %add3A_89 = arith.constant 256 : i32
      %add3A_90 = arith.addi %add3A_80, %add3A_89 : i32
      %get3A_91 = arith.index_cast %add3A_90 : i32 to index
      %get3A_92 = tpu.vector_load %arg6[%get3A_91] {strides = array<i32>} : memref<13312xf32, #tpu.memory_space<vmem>>, vector<16xf32>,
      %get3A_93 = vector.shape_cast %get3A_92 : vector<16xf32> to vector<16xf32>
      %add3A_94 = arith.addf %add3A_88, %get3A_93 : vector<16xf32>
      %add3A_95 = arith.constant 384 : i32
      %add3A_96 = arith.addi %add3A_80, %add3A_95 : i32
      %get3A_97 = arith.index_cast %add3A_96 : i32 to index
      %get3A_98 = tpu.vector_load %arg6[%get3A_97] {strides = array<i32>} : memref<13312xf32, #tpu.memory_space<vmem>>, vector<16xf32>,
      %get3A_99 = vector.shape_cast %get3A_98 : vector<16xf32> to vector<16xf32>
      %add3A_100 = arith.addf %add3A_94, %get3A_99 : vector<16xf32>
      %add3A_101 = arith.constant 512 : i32
      %add3A_102 = arith.addi %add3A_80, %add3A_101 : i32
      %get3A_103 = arith.index_cast %add3A_102 : i32 to index
      %get3A_104 = tpu.vector_load %arg6[%get3A_103] {strides = array<i32>} : memref<13312xf32, #tpu.memory_space<vmem>>, vector<16xf32>,
      %get3A_105 = vector.shape_cast %get3A_104 : vector<16xf32> to vector<16xf32>
      %add3A_106 = arith.addf %add3A_100, %get3A_105 : vector<16xf32>
      %add3A_107 = arith.constant 640 : i32
      %add3A_108 = arith.addi %add3A_80, %add3A_107 : i32
      %get3A_109 = arith.index_cast %add3A_108 : i32 to index
      %get3A_110 = tpu.vector_load %arg6[%get3A_109] {strides = array<i32>} : memref<13312xf32, #tpu.memory_space<vmem>>, vector<16xf32>,
      %get3A_111 = vector.shape_cast %get3A_110 : vector<16xf32> to vector<16xf32>
      %add3A_112 = arith.addf %add3A_106, %get3A_111 : vector<16xf32>
      %add3A_113 = arith.constant 768 : i32
      %add3A_114 = arith.addi %add3A_80, %add3A_113 : i32
      %get3A_115 = arith.index_cast %add3A_114 : i32 to index
      %get3A_116 = tpu.vector_load %arg6[%get3A_115] {strides = array<i32>} : memref<13312xf32, #tpu.memory_space<vmem>>, vector<16xf32>,
      %get3A_117 = vector.shape_cast %get3A_116 : vector<16xf32> to vector<16xf32>
      %add3A_118 = arith.addf %add3A_112, %get3A_117 : vector<16xf32>
      %add3A_119 = arith.constant 896 : i32
      %add3A_120 = arith.addi %add3A_80, %add3A_119 : i32
      %get3A_121 = arith.index_cast %add3A_120 : i32 to index
      %get3A_122 = tpu.vector_load %arg6[%get3A_121] {strides = array<i32>} : memref<13312xf32, #tpu.memory_space<vmem>>, vector<16xf32>,
      %get3A_123 = vector.shape_cast %get3A_122 : vector<16xf32> to vector<16xf32>
      %add3A_124 = arith.addf %add3A_118, %get3A_123 : vector<16xf32>
      %add3A_125 = arith.constant 1024 : i32
      %add3A_126 = arith.addi %add3A_80, %add3A_125 : i32
      %get3A_127 = arith.index_cast %add3A_126 : i32 to index
      %get3A_128 = tpu.vector_load %arg6[%get3A_127] {strides = array<i32>} : memref<13312xf32, #tpu.memory_space<vmem>>, vector<16xf32>,
      %get3A_129 = vector.shape_cast %get3A_128 : vector<16xf32> to vector<16xf32>
      %add3A_130 = arith.addf %add3A_124, %get3A_129 : vector<16xf32>
      %add3A_131 = arith.constant 1152 : i32
      %add3A_132 = arith.addi %add3A_80, %add3A_131 : i32
      %get3A_133 = arith.index_cast %add3A_132 : i32 to index
      %get3A_134 = tpu.vector_load %arg6[%get3A_133] {strides = array<i32>} : memref<13312xf32, #tpu.memory_space<vmem>>, vector<16xf32>,
      %get3A_135 = vector.shape_cast %get3A_134 : vector<16xf32> to vector<16xf32>
      %add3A_136 = arith.addf %add3A_130, %get3A_135 : vector<16xf32>
      %add3A_137 = arith.constant 1280 : i32
      %add3A_138 = arith.addi %add3A_80, %add3A_137 : i32
      %get3A_139 = arith.index_cast %add3A_138 : i32 to index
      %get3A_140 = tpu.vector_load %arg6[%get3A_139] {strides = array<i32>} : memref<13312xf32, #tpu.memory_space<vmem>>, vector<16xf32>,
      %get3A_141 = vector.shape_cast %get3A_140 : vector<16xf32> to vector<16xf32>
      %add3A_142 = arith.addf %add3A_136, %get3A_141 : vector<16xf32>
      %add3A_143 = arith.constant 1408 : i32
      %add3A_144 = arith.addi %add3A_80, %add3A_143 : i32
      %get3A_145 = arith.index_cast %add3A_144 : i32 to index
      %get3A_146 = tpu.vector_load %arg6[%get3A_145] {strides = array<i32>} : memref<13312xf32, #tpu.memory_space<vmem>>, vector<16xf32>,
      %get3A_147 = vector.shape_cast %get3A_146 : vector<16xf32> to vector<16xf32>
      %add3A_148 = arith.addf %add3A_142, %get3A_147 : vector<16xf32>
      %add3A_149 = arith.constant 1536 : i32
      %add3A_150 = arith.addi %add3A_80, %add3A_149 : i32
      %get3A_151 = arith.index_cast %add3A_150 : i32 to index
      %get3A_152 = tpu.vector_load %arg6[%get3A_151] {strides = array<i32>} : memref<13312xf32, #tpu.memory_space<vmem>>, vector<16xf32>,
      %get3A_153 = vector.shape_cast %get3A_152 : vector<16xf32> to vector<16xf32>
      %add3A_154 = arith.addf %add3A_148, %get3A_153 : vector<16xf32>
      %add3A_155 = arith.constant 1664 : i32
      %add3A_156 = arith.addi %add3A_80, %add3A_155 : i32
      %get3A_157 = arith.index_cast %add3A_156 : i32 to index
      %get3A_158 = tpu.vector_load %arg6[%get3A_157] {strides = array<i32>} : memref<13312xf32, #tpu.memory_space<vmem>>, vector<16xf32>,
      %get3A_159 = vector.shape_cast %get3A_158 : vector<16xf32> to vector<16xf32>
      %add3A_160 = arith.addf %add3A_154, %get3A_159 : vector<16xf32>
      %add3A_161 = arith.constant 1792 : i32
      %add3A_162 = arith.addi %add3A_80, %add3A_161 : i32
      %get3A_163 = arith.index_cast %add3A_162 : i32 to index
      %get3A_164 = tpu.vector_load %arg6[%get3A_163] {strides = array<i32>} : memref<13312xf32, #tpu.memory_space<vmem>>, vector<16xf32>,
      %get3A_165 = vector.shape_cast %get3A_164 : vector<16xf32> to vector<16xf32>
      %add3A_166 = arith.addf %add3A_160, %get3A_165 : vector<16xf32>
      %add3A_167 = arith.constant 1920 : i32
      %add3A_168 = arith.addi %add3A_80, %add3A_167 : i32
      %get3A_169 = arith.index_cast %add3A_168 : i32 to index
      %get3A_170 = tpu.vector_load %arg6[%get3A_169] {strides = array<i32>} : memref<13312xf32, #tpu.memory_space<vmem>>, vector<16xf32>,
      %get3A_171 = vector.shape_cast %get3A_170 : vector<16xf32> to vector<16xf32>
      %add3A_172 = arith.addf %add3A_166, %get3A_171 : vector<16xf32>
      %add3A_173 = arith.constant 2048 : i32
      %add3A_174 = arith.addi %add3A_80, %add3A_173 : i32
      %get3A_175 = arith.index_cast %add3A_174 : i32 to index
      %get3A_176 = tpu.vector_load %arg6[%get3A_175] {strides = array<i32>} : memref<13312xf32, #tpu.memory_space<vmem>>, vector<16xf32>,
      %get3A_177 = vector.shape_cast %get3A_176 : vector<16xf32> to vector<16xf32>
      %add3A_178 = arith.addf %add3A_172, %get3A_177 : vector<16xf32>
      %add3A_179 = arith.constant 2176 : i32
      %add3A_180 = arith.addi %add3A_80, %add3A_179 : i32
      %get3A_181 = arith.index_cast %add3A_180 : i32 to index
      %get3A_182 = tpu.vector_load %arg6[%get3A_181] {strides = array<i32>} : memref<13312xf32, #tpu.memory_space<vmem>>, vector<16xf32>,
      %get3A_183 = vector.shape_cast %get3A_182 : vector<16xf32> to vector<16xf32>
      %add3A_184 = arith.addf %add3A_178, %get3A_183 : vector<16xf32>
      %add3A_185 = arith.constant 2304 : i32
      %add3A_186 = arith.addi %add3A_80, %add3A_185 : i32
      %get3A_187 = arith.index_cast %add3A_186 : i32 to index
      %get3A_188 = tpu.vector_load %arg6[%get3A_187] {strides = array<i32>} : memref<13312xf32, #tpu.memory_space<vmem>>, vector<16xf32>,
      %get3A_189 = vector.shape_cast %get3A_188 : vector<16xf32> to vector<16xf32>
      %add3A_190 = arith.addf %add3A_184, %get3A_189 : vector<16xf32>
      %add3A_191 = arith.constant 2432 : i32
      %add3A_192 = arith.addi %add3A_80, %add3A_191 : i32
      %get3A_193 = arith.index_cast %add3A_192 : i32 to index
      %get3A_194 = tpu.vector_load %arg6[%get3A_193] {strides = array<i32>} : memref<13312xf32, #tpu.memory_space<vmem>>, vector<16xf32>,
      %get3A_195 = vector.shape_cast %get3A_194 : vector<16xf32> to vector<16xf32>
      %add3A_196 = arith.addf %add3A_190, %get3A_195 : vector<16xf32>
      %add3A_197 = arith.constant 2560 : i32
      %add3A_198 = arith.addi %add3A_80, %add3A_197 : i32
      %get3A_199 = arith.index_cast %add3A_198 : i32 to index
      %get3A_200 = tpu.vector_load %arg6[%get3A_199] {strides = array<i32>} : memref<13312xf32, #tpu.memory_space<vmem>>, vector<16xf32>,
      %get3A_201 = vector.shape_cast %get3A_200 : vector<16xf32> to vector<16xf32>
      %add3A_202 = arith.addf %add3A_196, %get3A_201 : vector<16xf32>
      %add3A_203 = arith.constant 2688 : i32
      %add3A_204 = arith.addi %add3A_80, %add3A_203 : i32
      %get3A_205 = arith.index_cast %add3A_204 : i32 to index
      %get3A_206 = tpu.vector_load %arg6[%get3A_205] {strides = array<i32>} : memref<13312xf32, #tpu.memory_space<vmem>>, vector<16xf32>,
      %get3A_207 = vector.shape_cast %get3A_206 : vector<16xf32> to vector<16xf32>
      %add3A_208 = arith.addf %add3A_202, %get3A_207 : vector<16xf32>
      %add3A_209 = arith.constant 2816 : i32
      %add3A_210 = arith.addi %add3A_80, %add3A_209 : i32
      %get3A_211 = arith.index_cast %add3A_210 : i32 to index
      %get3A_212 = tpu.vector_load %arg6[%get3A_211] {strides = array<i32>} : memref<13312xf32, #tpu.memory_space<vmem>>, vector<16xf32>,
      %get3A_213 = vector.shape_cast %get3A_212 : vector<16xf32> to vector<16xf32>
      %add3A_214 = arith.addf %add3A_208, %get3A_213 : vector<16xf32>
      %add3A_215 = arith.constant 2944 : i32
      %add3A_216 = arith.addi %add3A_80, %add3A_215 : i32
      %get3A_217 = arith.index_cast %add3A_216 : i32 to index
      %get3A_218 = tpu.vector_load %arg6[%get3A_217] {strides = array<i32>} : memref<13312xf32, #tpu.memory_space<vmem>>, vector<16xf32>,
      %get3A_219 = vector.shape_cast %get3A_218 : vector<16xf32> to vector<16xf32>
      %add3A_220 = arith.addf %add3A_214, %get3A_219 : vector<16xf32>
      %add3A_221 = arith.constant 3072 : i32
      %add3A_222 = arith.addi %add3A_80, %add3A_221 : i32
      %get3A_223 = arith.index_cast %add3A_222 : i32 to index
      %get3A_224 = tpu.vector_load %arg6[%get3A_223] {strides = array<i32>} : memref<13312xf32, #tpu.memory_space<vmem>>, vector<16xf32>,
      %get3A_225 = vector.shape_cast %get3A_224 : vector<16xf32> to vector<16xf32>
      %add3A_226 = arith.addf %add3A_220, %get3A_225 : vector<16xf32>
      %add3A_227 = arith.constant 3200 : i32
      %add3A_228 = arith.addi %add3A_80, %add3A_227 : i32
      %get3A_229 = arith.index_cast %add3A_228 : i32 to index
      %get3A_230 = tpu.vector_load %arg6[%get3A_229] {strides = array<i32>} : memref<13312xf32, #tpu.memory_space<vmem>>, vector<16xf32>,
      %get3A_231 = vector.shape_cast %get3A_230 : vector<16xf32> to vector<16xf32>
      %add3A_232 = arith.addf %add3A_226, %get3A_231 : vector<16xf32>
      %mul3A_233 = arith.constant 16 : i32
      %mul3A_234 = arith.muli %scan3A_76, %mul3A_233 : i32
      %add3A_235 = arith.constant 0 : i32
      %add3A_236 = arith.addi %add3A_235, %mul3A_234 : i32
      %swap3A = arith.index_cast %add3A_236 : i32 to index
      %swap3A_237 = tpu.vector_load %arg7[%swap3A] {strides = array<i32>} : memref<512xf32, #tpu.memory_space<vmem>>, vector<16xf32>,
      %swap3A_238 = vector.shape_cast %swap3A_237 : vector<16xf32> to vector<16xf32>
      %swap3A_239 = vector.shape_cast %add3A_232 : vector<16xf32> to vector<16xf32>
      tpu.vector_store %arg7[%swap3A], %swap3A_239 {strides = array<i32>} : memref<512xf32, #tpu.memory_space<vmem>>, vector<16xf32>,
    }
    %scan3A_37 = arith.constant 8 : i32
    %dma_wait3A_38 = arith.constant 3328 : i32
    %dma_wait3A_39 = tpu.memref_slice %arg6[%dma_wait3A_38] : memref<13312xf32, #tpu.memory_space<vmem>> -> memref<3328xf32, #tpu.memory_space<vmem>>
    %dma_wait3A_40 = arith.constant 3328 : i32
    %dma_wait3A_41 = tpu.memref_slice %arg5[%dma_wait3A_40] : memref<13312xi32, #tpu.memory_space<vmem>> -> memref<3328xi32, #tpu.memory_space<vmem>>
    %dma_wait3A_42 = arith.constant 0 : i32
    %dma_wait3A_43 = tpu.memref_slice %arg3[%dma_wait3A_42] : memref<1000448xf32, #tpu.memory_space<hbm>> -> memref<1000448xf32, #tpu.memory_space<hbm>>
    tpu.wait_indirect_dma semaphore(%arg9 : memref<!tpu.dma_semaphore, #tpu.memory_space<semaphore_mem>>) src(%dma_wait3A_43 : memref<1000448xf32, #tpu.memory_space<hbm>>) dst(%dma_wait3A_39 : memref<3328xf32, #tpu.memory_space<vmem>>)
    %scan3A_44 = arith.constant 0 : i32
    %scan3A_45 = arith.constant 0 : i32
    %scan3A_46 = arith.constant 8 : i32
    %scan3A_47 = arith.addi %scan3A_45, %scan3A_46 : i32
    %scan3A_48 = arith.constant 1 : i32
    scf.for %scan3A_76 = %scan3A_45 to %scan3A_47 step %scan3A_48  : i32 {
      %mul3A_77 = arith.constant 16 : i32
      %mul3A_78 = arith.muli %scan3A_76, %mul3A_77 : i32
      %add3A_79 = arith.constant 3328 : i32
      %add3A_80 = arith.addi %add3A_79, %mul3A_78 : i32
      %get3A = arith.index_cast %add3A_80 : i32 to index
      %get3A_81 = tpu.vector_load %arg6[%get3A] {strides = array<i32>} : memref<13312xf32, #tpu.memory_space<vmem>>, vector<16xf32>,
      %get3A_82 = vector.shape_cast %get3A_81 : vector<16xf32> to vector<16xf32>
      %add3A_83 = arith.constant 128 : i32
      %add3A_84 = arith.addi %add3A_80, %add3A_83 : i32
      %get3A_85 = arith.index_cast %add3A_84 : i32 to index
      %get3A_86 = tpu.vector_load %arg6[%get3A_85] {strides = array<i32>} : memref<13312xf32, #tpu.memory_space<vmem>>, vector<16xf32>,
      %get3A_87 = vector.shape_cast %get3A_86 : vector<16xf32> to vector<16xf32>
      %add3A_88 = arith.addf %get3A_82, %get3A_87 : vector<16xf32>
      %add3A_89 = arith.constant 256 : i32
      %add3A_90 = arith.addi %add3A_80, %add3A_89 : i32
      %get3A_91 = arith.index_cast %add3A_90 : i32 to index
      %get3A_92 = tpu.vector_load %arg6[%get3A_91] {strides = array<i32>} : memref<13312xf32, #tpu.memory_space<vmem>>, vector<16xf32>,
      %get3A_93 = vector.shape_cast %get3A_92 : vector<16xf32> to vector<16xf32>
      %add3A_94 = arith.addf %add3A_88, %get3A_93 : vector<16xf32>
      %add3A_95 = arith.constant 384 : i32
      %add3A_96 = arith.addi %add3A_80, %add3A_95 : i32
      %get3A_97 = arith.index_cast %add3A_96 : i32 to index
      %get3A_98 = tpu.vector_load %arg6[%get3A_97] {strides = array<i32>} : memref<13312xf32, #tpu.memory_space<vmem>>, vector<16xf32>,
      %get3A_99 = vector.shape_cast %get3A_98 : vector<16xf32> to vector<16xf32>
      %add3A_100 = arith.addf %add3A_94, %get3A_99 : vector<16xf32>
      %add3A_101 = arith.constant 512 : i32
      %add3A_102 = arith.addi %add3A_80, %add3A_101 : i32
      %get3A_103 = arith.index_cast %add3A_102 : i32 to index
      %get3A_104 = tpu.vector_load %arg6[%get3A_103] {strides = array<i32>} : memref<13312xf32, #tpu.memory_space<vmem>>, vector<16xf32>,
      %get3A_105 = vector.shape_cast %get3A_104 : vector<16xf32> to vector<16xf32>
      %add3A_106 = arith.addf %add3A_100, %get3A_105 : vector<16xf32>
      %add3A_107 = arith.constant 640 : i32
      %add3A_108 = arith.addi %add3A_80, %add3A_107 : i32
      %get3A_109 = arith.index_cast %add3A_108 : i32 to index
      %get3A_110 = tpu.vector_load %arg6[%get3A_109] {strides = array<i32>} : memref<13312xf32, #tpu.memory_space<vmem>>, vector<16xf32>,
      %get3A_111 = vector.shape_cast %get3A_110 : vector<16xf32> to vector<16xf32>
      %add3A_112 = arith.addf %add3A_106, %get3A_111 : vector<16xf32>
      %add3A_113 = arith.constant 768 : i32
      %add3A_114 = arith.addi %add3A_80, %add3A_113 : i32
      %get3A_115 = arith.index_cast %add3A_114 : i32 to index
      %get3A_116 = tpu.vector_load %arg6[%get3A_115] {strides = array<i32>} : memref<13312xf32, #tpu.memory_space<vmem>>, vector<16xf32>,
      %get3A_117 = vector.shape_cast %get3A_116 : vector<16xf32> to vector<16xf32>
      %add3A_118 = arith.addf %add3A_112, %get3A_117 : vector<16xf32>
      %add3A_119 = arith.constant 896 : i32
      %add3A_120 = arith.addi %add3A_80, %add3A_119 : i32
      %get3A_121 = arith.index_cast %add3A_120 : i32 to index
      %get3A_122 = tpu.vector_load %arg6[%get3A_121] {strides = array<i32>} : memref<13312xf32, #tpu.memory_space<vmem>>, vector<16xf32>,
      %get3A_123 = vector.shape_cast %get3A_122 : vector<16xf32> to vector<16xf32>
      %add3A_124 = arith.addf %add3A_118, %get3A_123 : vector<16xf32>
      %add3A_125 = arith.constant 1024 : i32
      %add3A_126 = arith.addi %add3A_80, %add3A_125 : i32
      %get3A_127 = arith.index_cast %add3A_126 : i32 to index
      %get3A_128 = tpu.vector_load %arg6[%get3A_127] {strides = array<i32>} : memref<13312xf32, #tpu.memory_space<vmem>>, vector<16xf32>,
      %get3A_129 = vector.shape_cast %get3A_128 : vector<16xf32> to vector<16xf32>
      %add3A_130 = arith.addf %add3A_124, %get3A_129 : vector<16xf32>
      %add3A_131 = arith.constant 1152 : i32
      %add3A_132 = arith.addi %add3A_80, %add3A_131 : i32
      %get3A_133 = arith.index_cast %add3A_132 : i32 to index
      %get3A_134 = tpu.vector_load %arg6[%get3A_133] {strides = array<i32>} : memref<13312xf32, #tpu.memory_space<vmem>>, vector<16xf32>,
      %get3A_135 = vector.shape_cast %get3A_134 : vector<16xf32> to vector<16xf32>
      %add3A_136 = arith.addf %add3A_130, %get3A_135 : vector<16xf32>
      %add3A_137 = arith.constant 1280 : i32
      %add3A_138 = arith.addi %add3A_80, %add3A_137 : i32
      %get3A_139 = arith.index_cast %add3A_138 : i32 to index
      %get3A_140 = tpu.vector_load %arg6[%get3A_139] {strides = array<i32>} : memref<13312xf32, #tpu.memory_space<vmem>>, vector<16xf32>,
      %get3A_141 = vector.shape_cast %get3A_140 : vector<16xf32> to vector<16xf32>
      %add3A_142 = arith.addf %add3A_136, %get3A_141 : vector<16xf32>
      %add3A_143 = arith.constant 1408 : i32
      %add3A_144 = arith.addi %add3A_80, %add3A_143 : i32
      %get3A_145 = arith.index_cast %add3A_144 : i32 to index
      %get3A_146 = tpu.vector_load %arg6[%get3A_145] {strides = array<i32>} : memref<13312xf32, #tpu.memory_space<vmem>>, vector<16xf32>,
      %get3A_147 = vector.shape_cast %get3A_146 : vector<16xf32> to vector<16xf32>
      %add3A_148 = arith.addf %add3A_142, %get3A_147 : vector<16xf32>
      %add3A_149 = arith.constant 1536 : i32
      %add3A_150 = arith.addi %add3A_80, %add3A_149 : i32
      %get3A_151 = arith.index_cast %add3A_150 : i32 to index
      %get3A_152 = tpu.vector_load %arg6[%get3A_151] {strides = array<i32>} : memref<13312xf32, #tpu.memory_space<vmem>>, vector<16xf32>,
      %get3A_153 = vector.shape_cast %get3A_152 : vector<16xf32> to vector<16xf32>
      %add3A_154 = arith.addf %add3A_148, %get3A_153 : vector<16xf32>
      %add3A_155 = arith.constant 1664 : i32
      %add3A_156 = arith.addi %add3A_80, %add3A_155 : i32
      %get3A_157 = arith.index_cast %add3A_156 : i32 to index
      %get3A_158 = tpu.vector_load %arg6[%get3A_157] {strides = array<i32>} : memref<13312xf32, #tpu.memory_space<vmem>>, vector<16xf32>,
      %get3A_159 = vector.shape_cast %get3A_158 : vector<16xf32> to vector<16xf32>
      %add3A_160 = arith.addf %add3A_154, %get3A_159 : vector<16xf32>
      %add3A_161 = arith.constant 1792 : i32
      %add3A_162 = arith.addi %add3A_80, %add3A_161 : i32
      %get3A_163 = arith.index_cast %add3A_162 : i32 to index
      %get3A_164 = tpu.vector_load %arg6[%get3A_163] {strides = array<i32>} : memref<13312xf32, #tpu.memory_space<vmem>>, vector<16xf32>,
      %get3A_165 = vector.shape_cast %get3A_164 : vector<16xf32> to vector<16xf32>
      %add3A_166 = arith.addf %add3A_160, %get3A_165 : vector<16xf32>
      %add3A_167 = arith.constant 1920 : i32
      %add3A_168 = arith.addi %add3A_80, %add3A_167 : i32
      %get3A_169 = arith.index_cast %add3A_168 : i32 to index
      %get3A_170 = tpu.vector_load %arg6[%get3A_169] {strides = array<i32>} : memref<13312xf32, #tpu.memory_space<vmem>>, vector<16xf32>,
      %get3A_171 = vector.shape_cast %get3A_170 : vector<16xf32> to vector<16xf32>
      %add3A_172 = arith.addf %add3A_166, %get3A_171 : vector<16xf32>
      %add3A_173 = arith.constant 2048 : i32
      %add3A_174 = arith.addi %add3A_80, %add3A_173 : i32
      %get3A_175 = arith.index_cast %add3A_174 : i32 to index
      %get3A_176 = tpu.vector_load %arg6[%get3A_175] {strides = array<i32>} : memref<13312xf32, #tpu.memory_space<vmem>>, vector<16xf32>,
      %get3A_177 = vector.shape_cast %get3A_176 : vector<16xf32> to vector<16xf32>
      %add3A_178 = arith.addf %add3A_172, %get3A_177 : vector<16xf32>
      %add3A_179 = arith.constant 2176 : i32
      %add3A_180 = arith.addi %add3A_80, %add3A_179 : i32
      %get3A_181 = arith.index_cast %add3A_180 : i32 to index
      %get3A_182 = tpu.vector_load %arg6[%get3A_181] {strides = array<i32>} : memref<13312xf32, #tpu.memory_space<vmem>>, vector<16xf32>,
      %get3A_183 = vector.shape_cast %get3A_182 : vector<16xf32> to vector<16xf32>
      %add3A_184 = arith.addf %add3A_178, %get3A_183 : vector<16xf32>
      %add3A_185 = arith.constant 2304 : i32
      %add3A_186 = arith.addi %add3A_80, %add3A_185 : i32
      %get3A_187 = arith.index_cast %add3A_186 : i32 to index
      %get3A_188 = tpu.vector_load %arg6[%get3A_187] {strides = array<i32>} : memref<13312xf32, #tpu.memory_space<vmem>>, vector<16xf32>,
      %get3A_189 = vector.shape_cast %get3A_188 : vector<16xf32> to vector<16xf32>
      %add3A_190 = arith.addf %add3A_184, %get3A_189 : vector<16xf32>
      %add3A_191 = arith.constant 2432 : i32
      %add3A_192 = arith.addi %add3A_80, %add3A_191 : i32
      %get3A_193 = arith.index_cast %add3A_192 : i32 to index
      %get3A_194 = tpu.vector_load %arg6[%get3A_193] {strides = array<i32>} : memref<13312xf32, #tpu.memory_space<vmem>>, vector<16xf32>,
      %get3A_195 = vector.shape_cast %get3A_194 : vector<16xf32> to vector<16xf32>
      %add3A_196 = arith.addf %add3A_190, %get3A_195 : vector<16xf32>
      %add3A_197 = arith.constant 2560 : i32
      %add3A_198 = arith.addi %add3A_80, %add3A_197 : i32
      %get3A_199 = arith.index_cast %add3A_198 : i32 to index
      %get3A_200 = tpu.vector_load %arg6[%get3A_199] {strides = array<i32>} : memref<13312xf32, #tpu.memory_space<vmem>>, vector<16xf32>,
      %get3A_201 = vector.shape_cast %get3A_200 : vector<16xf32> to vector<16xf32>
      %add3A_202 = arith.addf %add3A_196, %get3A_201 : vector<16xf32>
      %add3A_203 = arith.constant 2688 : i32
      %add3A_204 = arith.addi %add3A_80, %add3A_203 : i32
      %get3A_205 = arith.index_cast %add3A_204 : i32 to index
      %get3A_206 = tpu.vector_load %arg6[%get3A_205] {strides = array<i32>} : memref<13312xf32, #tpu.memory_space<vmem>>, vector<16xf32>,
      %get3A_207 = vector.shape_cast %get3A_206 : vector<16xf32> to vector<16xf32>
      %add3A_208 = arith.addf %add3A_202, %get3A_207 : vector<16xf32>
      %add3A_209 = arith.constant 2816 : i32
      %add3A_210 = arith.addi %add3A_80, %add3A_209 : i32
      %get3A_211 = arith.index_cast %add3A_210 : i32 to index
      %get3A_212 = tpu.vector_load %arg6[%get3A_211] {strides = array<i32>} : memref<13312xf32, #tpu.memory_space<vmem>>, vector<16xf32>,
      %get3A_213 = vector.shape_cast %get3A_212 : vector<16xf32> to vector<16xf32>
      %add3A_214 = arith.addf %add3A_208, %get3A_213 : vector<16xf32>
      %add3A_215 = arith.constant 2944 : i32
      %add3A_216 = arith.addi %add3A_80, %add3A_215 : i32
      %get3A_217 = arith.index_cast %add3A_216 : i32 to index
      %get3A_218 = tpu.vector_load %arg6[%get3A_217] {strides = array<i32>} : memref<13312xf32, #tpu.memory_space<vmem>>, vector<16xf32>,
      %get3A_219 = vector.shape_cast %get3A_218 : vector<16xf32> to vector<16xf32>
      %add3A_220 = arith.addf %add3A_214, %get3A_219 : vector<16xf32>
      %add3A_221 = arith.constant 3072 : i32
      %add3A_222 = arith.addi %add3A_80, %add3A_221 : i32
      %get3A_223 = arith.index_cast %add3A_222 : i32 to index
      %get3A_224 = tpu.vector_load %arg6[%get3A_223] {strides = array<i32>} : memref<13312xf32, #tpu.memory_space<vmem>>, vector<16xf32>,
      %get3A_225 = vector.shape_cast %get3A_224 : vector<16xf32> to vector<16xf32>
      %add3A_226 = arith.addf %add3A_220, %get3A_225 : vector<16xf32>
      %add3A_227 = arith.constant 3200 : i32
      %add3A_228 = arith.addi %add3A_80, %add3A_227 : i32
      %get3A_229 = arith.index_cast %add3A_228 : i32 to index
      %get3A_230 = tpu.vector_load %arg6[%get3A_229] {strides = array<i32>} : memref<13312xf32, #tpu.memory_space<vmem>>, vector<16xf32>,
      %get3A_231 = vector.shape_cast %get3A_230 : vector<16xf32> to vector<16xf32>
      %add3A_232 = arith.addf %add3A_226, %get3A_231 : vector<16xf32>
      %mul3A_233 = arith.constant 16 : i32
      %mul3A_234 = arith.muli %scan3A_76, %mul3A_233 : i32
      %add3A_235 = arith.constant 128 : i32
      %add3A_236 = arith.addi %add3A_235, %mul3A_234 : i32
      %swap3A = arith.index_cast %add3A_236 : i32 to index
      %swap3A_237 = tpu.vector_load %arg7[%swap3A] {strides = array<i32>} : memref<512xf32, #tpu.memory_space<vmem>>, vector<16xf32>,
      %swap3A_238 = vector.shape_cast %swap3A_237 : vector<16xf32> to vector<16xf32>
      %swap3A_239 = vector.shape_cast %add3A_232 : vector<16xf32> to vector<16xf32>
      tpu.vector_store %arg7[%swap3A], %swap3A_239 {strides = array<i32>} : memref<512xf32, #tpu.memory_space<vmem>>, vector<16xf32>,
    }
    %scan3A_49 = arith.constant 8 : i32
    %dma_wait3A_50 = arith.constant 6656 : i32
    %dma_wait3A_51 = tpu.memref_slice %arg6[%dma_wait3A_50] : memref<13312xf32, #tpu.memory_space<vmem>> -> memref<3328xf32, #tpu.memory_space<vmem>>
    %dma_wait3A_52 = arith.constant 6656 : i32
    %dma_wait3A_53 = tpu.memref_slice %arg5[%dma_wait3A_52] : memref<13312xi32, #tpu.memory_space<vmem>> -> memref<3328xi32, #tpu.memory_space<vmem>>
    %dma_wait3A_54 = arith.constant 0 : i32
    %dma_wait3A_55 = tpu.memref_slice %arg3[%dma_wait3A_54] : memref<1000448xf32, #tpu.memory_space<hbm>> -> memref<1000448xf32, #tpu.memory_space<hbm>>
    tpu.wait_indirect_dma semaphore(%arg10 : memref<!tpu.dma_semaphore, #tpu.memory_space<semaphore_mem>>) src(%dma_wait3A_55 : memref<1000448xf32, #tpu.memory_space<hbm>>) dst(%dma_wait3A_51 : memref<3328xf32, #tpu.memory_space<vmem>>)
    %scan3A_56 = arith.constant 0 : i32
    %scan3A_57 = arith.constant 0 : i32
    %scan3A_58 = arith.constant 8 : i32
    %scan3A_59 = arith.addi %scan3A_57, %scan3A_58 : i32
    %scan3A_60 = arith.constant 1 : i32
    scf.for %scan3A_76 = %scan3A_57 to %scan3A_59 step %scan3A_60  : i32 {
      %mul3A_77 = arith.constant 16 : i32
      %mul3A_78 = arith.muli %scan3A_76, %mul3A_77 : i32
      %add3A_79 = arith.constant 6656 : i32
      %add3A_80 = arith.addi %add3A_79, %mul3A_78 : i32
      %get3A = arith.index_cast %add3A_80 : i32 to index
      %get3A_81 = tpu.vector_load %arg6[%get3A] {strides = array<i32>} : memref<13312xf32, #tpu.memory_space<vmem>>, vector<16xf32>,
      %get3A_82 = vector.shape_cast %get3A_81 : vector<16xf32> to vector<16xf32>
      %add3A_83 = arith.constant 128 : i32
      %add3A_84 = arith.addi %add3A_80, %add3A_83 : i32
      %get3A_85 = arith.index_cast %add3A_84 : i32 to index
      %get3A_86 = tpu.vector_load %arg6[%get3A_85] {strides = array<i32>} : memref<13312xf32, #tpu.memory_space<vmem>>, vector<16xf32>,
      %get3A_87 = vector.shape_cast %get3A_86 : vector<16xf32> to vector<16xf32>
      %add3A_88 = arith.addf %get3A_82, %get3A_87 : vector<16xf32>
      %add3A_89 = arith.constant 256 : i32
      %add3A_90 = arith.addi %add3A_80, %add3A_89 : i32
      %get3A_91 = arith.index_cast %add3A_90 : i32 to index
      %get3A_92 = tpu.vector_load %arg6[%get3A_91] {strides = array<i32>} : memref<13312xf32, #tpu.memory_space<vmem>>, vector<16xf32>,
      %get3A_93 = vector.shape_cast %get3A_92 : vector<16xf32> to vector<16xf32>
      %add3A_94 = arith.addf %add3A_88, %get3A_93 : vector<16xf32>
      %add3A_95 = arith.constant 384 : i32
      %add3A_96 = arith.addi %add3A_80, %add3A_95 : i32
      %get3A_97 = arith.index_cast %add3A_96 : i32 to index
      %get3A_98 = tpu.vector_load %arg6[%get3A_97] {strides = array<i32>} : memref<13312xf32, #tpu.memory_space<vmem>>, vector<16xf32>,
      %get3A_99 = vector.shape_cast %get3A_98 : vector<16xf32> to vector<16xf32>
      %add3A_100 = arith.addf %add3A_94, %get3A_99 : vector<16xf32>
      %add3A_101 = arith.constant 512 : i32
      %add3A_102 = arith.addi %add3A_80, %add3A_101 : i32
      %get3A_103 = arith.index_cast %add3A_102 : i32 to index
      %get3A_104 = tpu.vector_load %arg6[%get3A_103] {strides = array<i32>} : memref<13312xf32, #tpu.memory_space<vmem>>, vector<16xf32>,
      %get3A_105 = vector.shape_cast %get3A_104 : vector<16xf32> to vector<16xf32>
      %add3A_106 = arith.addf %add3A_100, %get3A_105 : vector<16xf32>
      %add3A_107 = arith.constant 640 : i32
      %add3A_108 = arith.addi %add3A_80, %add3A_107 : i32
      %get3A_109 = arith.index_cast %add3A_108 : i32 to index
      %get3A_110 = tpu.vector_load %arg6[%get3A_109] {strides = array<i32>} : memref<13312xf32, #tpu.memory_space<vmem>>, vector<16xf32>,
      %get3A_111 = vector.shape_cast %get3A_110 : vector<16xf32> to vector<16xf32>
      %add3A_112 = arith.addf %add3A_106, %get3A_111 : vector<16xf32>
      %add3A_113 = arith.constant 768 : i32
      %add3A_114 = arith.addi %add3A_80, %add3A_113 : i32
      %get3A_115 = arith.index_cast %add3A_114 : i32 to index
      %get3A_116 = tpu.vector_load %arg6[%get3A_115] {strides = array<i32>} : memref<13312xf32, #tpu.memory_space<vmem>>, vector<16xf32>,
      %get3A_117 = vector.shape_cast %get3A_116 : vector<16xf32> to vector<16xf32>
      %add3A_118 = arith.addf %add3A_112, %get3A_117 : vector<16xf32>
      %add3A_119 = arith.constant 896 : i32
      %add3A_120 = arith.addi %add3A_80, %add3A_119 : i32
      %get3A_121 = arith.index_cast %add3A_120 : i32 to index
      %get3A_122 = tpu.vector_load %arg6[%get3A_121] {strides = array<i32>} : memref<13312xf32, #tpu.memory_space<vmem>>, vector<16xf32>,
      %get3A_123 = vector.shape_cast %get3A_122 : vector<16xf32> to vector<16xf32>
      %add3A_124 = arith.addf %add3A_118, %get3A_123 : vector<16xf32>
      %add3A_125 = arith.constant 1024 : i32
      %add3A_126 = arith.addi %add3A_80, %add3A_125 : i32
      %get3A_127 = arith.index_cast %add3A_126 : i32 to index
      %get3A_128 = tpu.vector_load %arg6[%get3A_127] {strides = array<i32>} : memref<13312xf32, #tpu.memory_space<vmem>>, vector<16xf32>,
      %get3A_129 = vector.shape_cast %get3A_128 : vector<16xf32> to vector<16xf32>
      %add3A_130 = arith.addf %add3A_124, %get3A_129 : vector<16xf32>
      %add3A_131 = arith.constant 1152 : i32
      %add3A_132 = arith.addi %add3A_80, %add3A_131 : i32
      %get3A_133 = arith.index_cast %add3A_132 : i32 to index
      %get3A_134 = tpu.vector_load %arg6[%get3A_133] {strides = array<i32>} : memref<13312xf32, #tpu.memory_space<vmem>>, vector<16xf32>,
      %get3A_135 = vector.shape_cast %get3A_134 : vector<16xf32> to vector<16xf32>
      %add3A_136 = arith.addf %add3A_130, %get3A_135 : vector<16xf32>
      %add3A_137 = arith.constant 1280 : i32
      %add3A_138 = arith.addi %add3A_80, %add3A_137 : i32
      %get3A_139 = arith.index_cast %add3A_138 : i32 to index
      %get3A_140 = tpu.vector_load %arg6[%get3A_139] {strides = array<i32>} : memref<13312xf32, #tpu.memory_space<vmem>>, vector<16xf32>,
      %get3A_141 = vector.shape_cast %get3A_140 : vector<16xf32> to vector<16xf32>
      %add3A_142 = arith.addf %add3A_136, %get3A_141 : vector<16xf32>
      %add3A_143 = arith.constant 1408 : i32
      %add3A_144 = arith.addi %add3A_80, %add3A_143 : i32
      %get3A_145 = arith.index_cast %add3A_144 : i32 to index
      %get3A_146 = tpu.vector_load %arg6[%get3A_145] {strides = array<i32>} : memref<13312xf32, #tpu.memory_space<vmem>>, vector<16xf32>,
      %get3A_147 = vector.shape_cast %get3A_146 : vector<16xf32> to vector<16xf32>
      %add3A_148 = arith.addf %add3A_142, %get3A_147 : vector<16xf32>
      %add3A_149 = arith.constant 1536 : i32
      %add3A_150 = arith.addi %add3A_80, %add3A_149 : i32
      %get3A_151 = arith.index_cast %add3A_150 : i32 to index
      %get3A_152 = tpu.vector_load %arg6[%get3A_151] {strides = array<i32>} : memref<13312xf32, #tpu.memory_space<vmem>>, vector<16xf32>,
      %get3A_153 = vector.shape_cast %get3A_152 : vector<16xf32> to vector<16xf32>
      %add3A_154 = arith.addf %add3A_148, %get3A_153 : vector<16xf32>
      %add3A_155 = arith.constant 1664 : i32
      %add3A_156 = arith.addi %add3A_80, %add3A_155 : i32
      %get3A_157 = arith.index_cast %add3A_156 : i32 to index
      %get3A_158 = tpu.vector_load %arg6[%get3A_157] {strides = array<i32>} : memref<13312xf32, #tpu.memory_space<vmem>>, vector<16xf32>,
      %get3A_159 = vector.shape_cast %get3A_158 : vector<16xf32> to vector<16xf32>
      %add3A_160 = arith.addf %add3A_154, %get3A_159 : vector<16xf32>
      %add3A_161 = arith.constant 1792 : i32
      %add3A_162 = arith.addi %add3A_80, %add3A_161 : i32
      %get3A_163 = arith.index_cast %add3A_162 : i32 to index
      %get3A_164 = tpu.vector_load %arg6[%get3A_163] {strides = array<i32>} : memref<13312xf32, #tpu.memory_space<vmem>>, vector<16xf32>,
      %get3A_165 = vector.shape_cast %get3A_164 : vector<16xf32> to vector<16xf32>
      %add3A_166 = arith.addf %add3A_160, %get3A_165 : vector<16xf32>
      %add3A_167 = arith.constant 1920 : i32
      %add3A_168 = arith.addi %add3A_80, %add3A_167 : i32
      %get3A_169 = arith.index_cast %add3A_168 : i32 to index
      %get3A_170 = tpu.vector_load %arg6[%get3A_169] {strides = array<i32>} : memref<13312xf32, #tpu.memory_space<vmem>>, vector<16xf32>,
      %get3A_171 = vector.shape_cast %get3A_170 : vector<16xf32> to vector<16xf32>
      %add3A_172 = arith.addf %add3A_166, %get3A_171 : vector<16xf32>
      %add3A_173 = arith.constant 2048 : i32
      %add3A_174 = arith.addi %add3A_80, %add3A_173 : i32
      %get3A_175 = arith.index_cast %add3A_174 : i32 to index
      %get3A_176 = tpu.vector_load %arg6[%get3A_175] {strides = array<i32>} : memref<13312xf32, #tpu.memory_space<vmem>>, vector<16xf32>,
      %get3A_177 = vector.shape_cast %get3A_176 : vector<16xf32> to vector<16xf32>
      %add3A_178 = arith.addf %add3A_172, %get3A_177 : vector<16xf32>
      %add3A_179 = arith.constant 2176 : i32
      %add3A_180 = arith.addi %add3A_80, %add3A_179 : i32
      %get3A_181 = arith.index_cast %add3A_180 : i32 to index
      %get3A_182 = tpu.vector_load %arg6[%get3A_181] {strides = array<i32>} : memref<13312xf32, #tpu.memory_space<vmem>>, vector<16xf32>,
      %get3A_183 = vector.shape_cast %get3A_182 : vector<16xf32> to vector<16xf32>
      %add3A_184 = arith.addf %add3A_178, %get3A_183 : vector<16xf32>
      %add3A_185 = arith.constant 2304 : i32
      %add3A_186 = arith.addi %add3A_80, %add3A_185 : i32
      %get3A_187 = arith.index_cast %add3A_186 : i32 to index
      %get3A_188 = tpu.vector_load %arg6[%get3A_187] {strides = array<i32>} : memref<13312xf32, #tpu.memory_space<vmem>>, vector<16xf32>,
      %get3A_189 = vector.shape_cast %get3A_188 : vector<16xf32> to vector<16xf32>
      %add3A_190 = arith.addf %add3A_184, %get3A_189 : vector<16xf32>
      %add3A_191 = arith.constant 2432 : i32
      %add3A_192 = arith.addi %add3A_80, %add3A_191 : i32
      %get3A_193 = arith.index_cast %add3A_192 : i32 to index
      %get3A_194 = tpu.vector_load %arg6[%get3A_193] {strides = array<i32>} : memref<13312xf32, #tpu.memory_space<vmem>>, vector<16xf32>,
      %get3A_195 = vector.shape_cast %get3A_194 : vector<16xf32> to vector<16xf32>
      %add3A_196 = arith.addf %add3A_190, %get3A_195 : vector<16xf32>
      %add3A_197 = arith.constant 2560 : i32
      %add3A_198 = arith.addi %add3A_80, %add3A_197 : i32
      %get3A_199 = arith.index_cast %add3A_198 : i32 to index
      %get3A_200 = tpu.vector_load %arg6[%get3A_199] {strides = array<i32>} : memref<13312xf32, #tpu.memory_space<vmem>>, vector<16xf32>,
      %get3A_201 = vector.shape_cast %get3A_200 : vector<16xf32> to vector<16xf32>
      %add3A_202 = arith.addf %add3A_196, %get3A_201 : vector<16xf32>
      %add3A_203 = arith.constant 2688 : i32
      %add3A_204 = arith.addi %add3A_80, %add3A_203 : i32
      %get3A_205 = arith.index_cast %add3A_204 : i32 to index
      %get3A_206 = tpu.vector_load %arg6[%get3A_205] {strides = array<i32>} : memref<13312xf32, #tpu.memory_space<vmem>>, vector<16xf32>,
      %get3A_207 = vector.shape_cast %get3A_206 : vector<16xf32> to vector<16xf32>
      %add3A_208 = arith.addf %add3A_202, %get3A_207 : vector<16xf32>
      %add3A_209 = arith.constant 2816 : i32
      %add3A_210 = arith.addi %add3A_80, %add3A_209 : i32
      %get3A_211 = arith.index_cast %add3A_210 : i32 to index
      %get3A_212 = tpu.vector_load %arg6[%get3A_211] {strides = array<i32>} : memref<13312xf32, #tpu.memory_space<vmem>>, vector<16xf32>,
      %get3A_213 = vector.shape_cast %get3A_212 : vector<16xf32> to vector<16xf32>
      %add3A_214 = arith.addf %add3A_208, %get3A_213 : vector<16xf32>
      %add3A_215 = arith.constant 2944 : i32
      %add3A_216 = arith.addi %add3A_80, %add3A_215 : i32
      %get3A_217 = arith.index_cast %add3A_216 : i32 to index
      %get3A_218 = tpu.vector_load %arg6[%get3A_217] {strides = array<i32>} : memref<13312xf32, #tpu.memory_space<vmem>>, vector<16xf32>,
      %get3A_219 = vector.shape_cast %get3A_218 : vector<16xf32> to vector<16xf32>
      %add3A_220 = arith.addf %add3A_214, %get3A_219 : vector<16xf32>
      %add3A_221 = arith.constant 3072 : i32
      %add3A_222 = arith.addi %add3A_80, %add3A_221 : i32
      %get3A_223 = arith.index_cast %add3A_222 : i32 to index
      %get3A_224 = tpu.vector_load %arg6[%get3A_223] {strides = array<i32>} : memref<13312xf32, #tpu.memory_space<vmem>>, vector<16xf32>,
      %get3A_225 = vector.shape_cast %get3A_224 : vector<16xf32> to vector<16xf32>
      %add3A_226 = arith.addf %add3A_220, %get3A_225 : vector<16xf32>
      %add3A_227 = arith.constant 3200 : i32
      %add3A_228 = arith.addi %add3A_80, %add3A_227 : i32
      %get3A_229 = arith.index_cast %add3A_228 : i32 to index
      %get3A_230 = tpu.vector_load %arg6[%get3A_229] {strides = array<i32>} : memref<13312xf32, #tpu.memory_space<vmem>>, vector<16xf32>,
      %get3A_231 = vector.shape_cast %get3A_230 : vector<16xf32> to vector<16xf32>
      %add3A_232 = arith.addf %add3A_226, %get3A_231 : vector<16xf32>
      %mul3A_233 = arith.constant 16 : i32
      %mul3A_234 = arith.muli %scan3A_76, %mul3A_233 : i32
      %add3A_235 = arith.constant 256 : i32
      %add3A_236 = arith.addi %add3A_235, %mul3A_234 : i32
      %swap3A = arith.index_cast %add3A_236 : i32 to index
      %swap3A_237 = tpu.vector_load %arg7[%swap3A] {strides = array<i32>} : memref<512xf32, #tpu.memory_space<vmem>>, vector<16xf32>,
      %swap3A_238 = vector.shape_cast %swap3A_237 : vector<16xf32> to vector<16xf32>
      %swap3A_239 = vector.shape_cast %add3A_232 : vector<16xf32> to vector<16xf32>
      tpu.vector_store %arg7[%swap3A], %swap3A_239 {strides = array<i32>} : memref<512xf32, #tpu.memory_space<vmem>>, vector<16xf32>,
    }
    %scan3A_61 = arith.constant 8 : i32
    %dma_wait3A_62 = arith.constant 9984 : i32
    %dma_wait3A_63 = tpu.memref_slice %arg6[%dma_wait3A_62] : memref<13312xf32, #tpu.memory_space<vmem>> -> memref<3328xf32, #tpu.memory_space<vmem>>
    %dma_wait3A_64 = arith.constant 9984 : i32
    %dma_wait3A_65 = tpu.memref_slice %arg5[%dma_wait3A_64] : memref<13312xi32, #tpu.memory_space<vmem>> -> memref<3328xi32, #tpu.memory_space<vmem>>
    %dma_wait3A_66 = arith.constant 0 : i32
    %dma_wait3A_67 = tpu.memref_slice %arg3[%dma_wait3A_66] : memref<1000448xf32, #tpu.memory_space<hbm>> -> memref<1000448xf32, #tpu.memory_space<hbm>>
    tpu.wait_indirect_dma semaphore(%arg11 : memref<!tpu.dma_semaphore, #tpu.memory_space<semaphore_mem>>) src(%dma_wait3A_67 : memref<1000448xf32, #tpu.memory_space<hbm>>) dst(%dma_wait3A_63 : memref<3328xf32, #tpu.memory_space<vmem>>)
    %scan3A_68 = arith.constant 0 : i32
    %scan3A_69 = arith.constant 0 : i32
    %scan3A_70 = arith.constant 8 : i32
    %scan3A_71 = arith.addi %scan3A_69, %scan3A_70 : i32
    %scan3A_72 = arith.constant 1 : i32
    scf.for %scan3A_76 = %scan3A_69 to %scan3A_71 step %scan3A_72  : i32 {
      %mul3A_77 = arith.constant 16 : i32
      %mul3A_78 = arith.muli %scan3A_76, %mul3A_77 : i32
      %add3A_79 = arith.constant 9984 : i32
      %add3A_80 = arith.addi %add3A_79, %mul3A_78 : i32
      %get3A = arith.index_cast %add3A_80 : i32 to index
      %get3A_81 = tpu.vector_load %arg6[%get3A] {strides = array<i32>} : memref<13312xf32, #tpu.memory_space<vmem>>, vector<16xf32>,
      %get3A_82 = vector.shape_cast %get3A_81 : vector<16xf32> to vector<16xf32>
      %add3A_83 = arith.constant 128 : i32
      %add3A_84 = arith.addi %add3A_80, %add3A_83 : i32
      %get3A_85 = arith.index_cast %add3A_84 : i32 to index
      %get3A_86 = tpu.vector_load %arg6[%get3A_85] {strides = array<i32>} : memref<13312xf32, #tpu.memory_space<vmem>>, vector<16xf32>,
      %get3A_87 = vector.shape_cast %get3A_86 : vector<16xf32> to vector<16xf32>
      %add3A_88 = arith.addf %get3A_82, %get3A_87 : vector<16xf32>
      %add3A_89 = arith.constant 256 : i32
      %add3A_90 = arith.addi %add3A_80, %add3A_89 : i32
      %get3A_91 = arith.index_cast %add3A_90 : i32 to index
      %get3A_92 = tpu.vector_load %arg6[%get3A_91] {strides = array<i32>} : memref<13312xf32, #tpu.memory_space<vmem>>, vector<16xf32>,
      %get3A_93 = vector.shape_cast %get3A_92 : vector<16xf32> to vector<16xf32>
      %add3A_94 = arith.addf %add3A_88, %get3A_93 : vector<16xf32>
      %add3A_95 = arith.constant 384 : i32
      %add3A_96 = arith.addi %add3A_80, %add3A_95 : i32
      %get3A_97 = arith.index_cast %add3A_96 : i32 to index
      %get3A_98 = tpu.vector_load %arg6[%get3A_97] {strides = array<i32>} : memref<13312xf32, #tpu.memory_space<vmem>>, vector<16xf32>,
      %get3A_99 = vector.shape_cast %get3A_98 : vector<16xf32> to vector<16xf32>
      %add3A_100 = arith.addf %add3A_94, %get3A_99 : vector<16xf32>
      %add3A_101 = arith.constant 512 : i32
      %add3A_102 = arith.addi %add3A_80, %add3A_101 : i32
      %get3A_103 = arith.index_cast %add3A_102 : i32 to index
      %get3A_104 = tpu.vector_load %arg6[%get3A_103] {strides = array<i32>} : memref<13312xf32, #tpu.memory_space<vmem>>, vector<16xf32>,
      %get3A_105 = vector.shape_cast %get3A_104 : vector<16xf32> to vector<16xf32>
      %add3A_106 = arith.addf %add3A_100, %get3A_105 : vector<16xf32>
      %add3A_107 = arith.constant 640 : i32
      %add3A_108 = arith.addi %add3A_80, %add3A_107 : i32
      %get3A_109 = arith.index_cast %add3A_108 : i32 to index
      %get3A_110 = tpu.vector_load %arg6[%get3A_109] {strides = array<i32>} : memref<13312xf32, #tpu.memory_space<vmem>>, vector<16xf32>,
      %get3A_111 = vector.shape_cast %get3A_110 : vector<16xf32> to vector<16xf32>
      %add3A_112 = arith.addf %add3A_106, %get3A_111 : vector<16xf32>
      %add3A_113 = arith.constant 768 : i32
      %add3A_114 = arith.addi %add3A_80, %add3A_113 : i32
      %get3A_115 = arith.index_cast %add3A_114 : i32 to index
      %get3A_116 = tpu.vector_load %arg6[%get3A_115] {strides = array<i32>} : memref<13312xf32, #tpu.memory_space<vmem>>, vector<16xf32>,
      %get3A_117 = vector.shape_cast %get3A_116 : vector<16xf32> to vector<16xf32>
      %add3A_118 = arith.addf %add3A_112, %get3A_117 : vector<16xf32>
      %add3A_119 = arith.constant 896 : i32
      %add3A_120 = arith.addi %add3A_80, %add3A_119 : i32
      %get3A_121 = arith.index_cast %add3A_120 : i32 to index
      %get3A_122 = tpu.vector_load %arg6[%get3A_121] {strides = array<i32>} : memref<13312xf32, #tpu.memory_space<vmem>>, vector<16xf32>,
      %get3A_123 = vector.shape_cast %get3A_122 : vector<16xf32> to vector<16xf32>
      %add3A_124 = arith.addf %add3A_118, %get3A_123 : vector<16xf32>
      %add3A_125 = arith.constant 1024 : i32
      %add3A_126 = arith.addi %add3A_80, %add3A_125 : i32
      %get3A_127 = arith.index_cast %add3A_126 : i32 to index
      %get3A_128 = tpu.vector_load %arg6[%get3A_127] {strides = array<i32>} : memref<13312xf32, #tpu.memory_space<vmem>>, vector<16xf32>,
      %get3A_129 = vector.shape_cast %get3A_128 : vector<16xf32> to vector<16xf32>
      %add3A_130 = arith.addf %add3A_124, %get3A_129 : vector<16xf32>
      %add3A_131 = arith.constant 1152 : i32
      %add3A_132 = arith.addi %add3A_80, %add3A_131 : i32
      %get3A_133 = arith.index_cast %add3A_132 : i32 to index
      %get3A_134 = tpu.vector_load %arg6[%get3A_133] {strides = array<i32>} : memref<13312xf32, #tpu.memory_space<vmem>>, vector<16xf32>,
      %get3A_135 = vector.shape_cast %get3A_134 : vector<16xf32> to vector<16xf32>
      %add3A_136 = arith.addf %add3A_130, %get3A_135 : vector<16xf32>
      %add3A_137 = arith.constant 1280 : i32
      %add3A_138 = arith.addi %add3A_80, %add3A_137 : i32
      %get3A_139 = arith.index_cast %add3A_138 : i32 to index
      %get3A_140 = tpu.vector_load %arg6[%get3A_139] {strides = array<i32>} : memref<13312xf32, #tpu.memory_space<vmem>>, vector<16xf32>,
      %get3A_141 = vector.shape_cast %get3A_140 : vector<16xf32> to vector<16xf32>
      %add3A_142 = arith.addf %add3A_136, %get3A_141 : vector<16xf32>
      %add3A_143 = arith.constant 1408 : i32
      %add3A_144 = arith.addi %add3A_80, %add3A_143 : i32
      %get3A_145 = arith.index_cast %add3A_144 : i32 to index
      %get3A_146 = tpu.vector_load %arg6[%get3A_145] {strides = array<i32>} : memref<13312xf32, #tpu.memory_space<vmem>>, vector<16xf32>,
      %get3A_147 = vector.shape_cast %get3A_146 : vector<16xf32> to vector<16xf32>
      %add3A_148 = arith.addf %add3A_142, %get3A_147 : vector<16xf32>
      %add3A_149 = arith.constant 1536 : i32
      %add3A_150 = arith.addi %add3A_80, %add3A_149 : i32
      %get3A_151 = arith.index_cast %add3A_150 : i32 to index
      %get3A_152 = tpu.vector_load %arg6[%get3A_151] {strides = array<i32>} : memref<13312xf32, #tpu.memory_space<vmem>>, vector<16xf32>,
      %get3A_153 = vector.shape_cast %get3A_152 : vector<16xf32> to vector<16xf32>
      %add3A_154 = arith.addf %add3A_148, %get3A_153 : vector<16xf32>
      %add3A_155 = arith.constant 1664 : i32
      %add3A_156 = arith.addi %add3A_80, %add3A_155 : i32
      %get3A_157 = arith.index_cast %add3A_156 : i32 to index
      %get3A_158 = tpu.vector_load %arg6[%get3A_157] {strides = array<i32>} : memref<13312xf32, #tpu.memory_space<vmem>>, vector<16xf32>,
      %get3A_159 = vector.shape_cast %get3A_158 : vector<16xf32> to vector<16xf32>
      %add3A_160 = arith.addf %add3A_154, %get3A_159 : vector<16xf32>
      %add3A_161 = arith.constant 1792 : i32
      %add3A_162 = arith.addi %add3A_80, %add3A_161 : i32
      %get3A_163 = arith.index_cast %add3A_162 : i32 to index
      %get3A_164 = tpu.vector_load %arg6[%get3A_163] {strides = array<i32>} : memref<13312xf32, #tpu.memory_space<vmem>>, vector<16xf32>,
      %get3A_165 = vector.shape_cast %get3A_164 : vector<16xf32> to vector<16xf32>
      %add3A_166 = arith.addf %add3A_160, %get3A_165 : vector<16xf32>
      %add3A_167 = arith.constant 1920 : i32
      %add3A_168 = arith.addi %add3A_80, %add3A_167 : i32
      %get3A_169 = arith.index_cast %add3A_168 : i32 to index
      %get3A_170 = tpu.vector_load %arg6[%get3A_169] {strides = array<i32>} : memref<13312xf32, #tpu.memory_space<vmem>>, vector<16xf32>,
      %get3A_171 = vector.shape_cast %get3A_170 : vector<16xf32> to vector<16xf32>
      %add3A_172 = arith.addf %add3A_166, %get3A_171 : vector<16xf32>
      %add3A_173 = arith.constant 2048 : i32
      %add3A_174 = arith.addi %add3A_80, %add3A_173 : i32
      %get3A_175 = arith.index_cast %add3A_174 : i32 to index
      %get3A_176 = tpu.vector_load %arg6[%get3A_175] {strides = array<i32>} : memref<13312xf32, #tpu.memory_space<vmem>>, vector<16xf32>,
      %get3A_177 = vector.shape_cast %get3A_176 : vector<16xf32> to vector<16xf32>
      %add3A_178 = arith.addf %add3A_172, %get3A_177 : vector<16xf32>
      %add3A_179 = arith.constant 2176 : i32
      %add3A_180 = arith.addi %add3A_80, %add3A_179 : i32
      %get3A_181 = arith.index_cast %add3A_180 : i32 to index
      %get3A_182 = tpu.vector_load %arg6[%get3A_181] {strides = array<i32>} : memref<13312xf32, #tpu.memory_space<vmem>>, vector<16xf32>,
      %get3A_183 = vector.shape_cast %get3A_182 : vector<16xf32> to vector<16xf32>
      %add3A_184 = arith.addf %add3A_178, %get3A_183 : vector<16xf32>
      %add3A_185 = arith.constant 2304 : i32
      %add3A_186 = arith.addi %add3A_80, %add3A_185 : i32
      %get3A_187 = arith.index_cast %add3A_186 : i32 to index
      %get3A_188 = tpu.vector_load %arg6[%get3A_187] {strides = array<i32>} : memref<13312xf32, #tpu.memory_space<vmem>>, vector<16xf32>,
      %get3A_189 = vector.shape_cast %get3A_188 : vector<16xf32> to vector<16xf32>
      %add3A_190 = arith.addf %add3A_184, %get3A_189 : vector<16xf32>
      %add3A_191 = arith.constant 2432 : i32
      %add3A_192 = arith.addi %add3A_80, %add3A_191 : i32
      %get3A_193 = arith.index_cast %add3A_192 : i32 to index
      %get3A_194 = tpu.vector_load %arg6[%get3A_193] {strides = array<i32>} : memref<13312xf32, #tpu.memory_space<vmem>>, vector<16xf32>,
      %get3A_195 = vector.shape_cast %get3A_194 : vector<16xf32> to vector<16xf32>
      %add3A_196 = arith.addf %add3A_190, %get3A_195 : vector<16xf32>
      %add3A_197 = arith.constant 2560 : i32
      %add3A_198 = arith.addi %add3A_80, %add3A_197 : i32
      %get3A_199 = arith.index_cast %add3A_198 : i32 to index
      %get3A_200 = tpu.vector_load %arg6[%get3A_199] {strides = array<i32>} : memref<13312xf32, #tpu.memory_space<vmem>>, vector<16xf32>,
      %get3A_201 = vector.shape_cast %get3A_200 : vector<16xf32> to vector<16xf32>
      %add3A_202 = arith.addf %add3A_196, %get3A_201 : vector<16xf32>
      %add3A_203 = arith.constant 2688 : i32
      %add3A_204 = arith.addi %add3A_80, %add3A_203 : i32
      %get3A_205 = arith.index_cast %add3A_204 : i32 to index
      %get3A_206 = tpu.vector_load %arg6[%get3A_205] {strides = array<i32>} : memref<13312xf32, #tpu.memory_space<vmem>>, vector<16xf32>,
      %get3A_207 = vector.shape_cast %get3A_206 : vector<16xf32> to vector<16xf32>
      %add3A_208 = arith.addf %add3A_202, %get3A_207 : vector<16xf32>
      %add3A_209 = arith.constant 2816 : i32
      %add3A_210 = arith.addi %add3A_80, %add3A_209 : i32
      %get3A_211 = arith.index_cast %add3A_210 : i32 to index
      %get3A_212 = tpu.vector_load %arg6[%get3A_211] {strides = array<i32>} : memref<13312xf32, #tpu.memory_space<vmem>>, vector<16xf32>,
      %get3A_213 = vector.shape_cast %get3A_212 : vector<16xf32> to vector<16xf32>
      %add3A_214 = arith.addf %add3A_208, %get3A_213 : vector<16xf32>
      %add3A_215 = arith.constant 2944 : i32
      %add3A_216 = arith.addi %add3A_80, %add3A_215 : i32
      %get3A_217 = arith.index_cast %add3A_216 : i32 to index
      %get3A_218 = tpu.vector_load %arg6[%get3A_217] {strides = array<i32>} : memref<13312xf32, #tpu.memory_space<vmem>>, vector<16xf32>,
      %get3A_219 = vector.shape_cast %get3A_218 : vector<16xf32> to vector<16xf32>
      %add3A_220 = arith.addf %add3A_214, %get3A_219 : vector<16xf32>
      %add3A_221 = arith.constant 3072 : i32
      %add3A_222 = arith.addi %add3A_80, %add3A_221 : i32
      %get3A_223 = arith.index_cast %add3A_222 : i32 to index
      %get3A_224 = tpu.vector_load %arg6[%get3A_223] {strides = array<i32>} : memref<13312xf32, #tpu.memory_space<vmem>>, vector<16xf32>,
      %get3A_225 = vector.shape_cast %get3A_224 : vector<16xf32> to vector<16xf32>
      %add3A_226 = arith.addf %add3A_220, %get3A_225 : vector<16xf32>
      %add3A_227 = arith.constant 3200 : i32
      %add3A_228 = arith.addi %add3A_80, %add3A_227 : i32
      %get3A_229 = arith.index_cast %add3A_228 : i32 to index
      %get3A_230 = tpu.vector_load %arg6[%get3A_229] {strides = array<i32>} : memref<13312xf32, #tpu.memory_space<vmem>>, vector<16xf32>,
      %get3A_231 = vector.shape_cast %get3A_230 : vector<16xf32> to vector<16xf32>
      %add3A_232 = arith.addf %add3A_226, %get3A_231 : vector<16xf32>
      %mul3A_233 = arith.constant 16 : i32
      %mul3A_234 = arith.muli %scan3A_76, %mul3A_233 : i32
      %add3A_235 = arith.constant 384 : i32
      %add3A_236 = arith.addi %add3A_235, %mul3A_234 : i32
      %swap3A = arith.index_cast %add3A_236 : i32 to index
      %swap3A_237 = tpu.vector_load %arg7[%swap3A] {strides = array<i32>} : memref<512xf32, #tpu.memory_space<vmem>>, vector<16xf32>,
      %swap3A_238 = vector.shape_cast %swap3A_237 : vector<16xf32> to vector<16xf32>
      %swap3A_239 = vector.shape_cast %add3A_232 : vector<16xf32> to vector<16xf32>
      tpu.vector_store %arg7[%swap3A], %swap3A_239 {strides = array<i32>} : memref<512xf32, #tpu.memory_space<vmem>>, vector<16xf32>,
    }
    %scan3A_73 = arith.constant 8 : i32
    %mul3A_74 = arith.constant 512 : i32
    %mul3A_75 = arith.muli %add3A, %mul3A_74 : i32
    "tpu.region"() ({
      %run_scoped3A = tpu.sem_alloc : memref<!tpu.dma_semaphore, #tpu.memory_space<semaphore_mem>>
      %dma_start3A_76 = tpu.memref_slice %arg4[%mul3A_75] : memref<16384xf32, #tpu.memory_space<hbm>> -> memref<512xf32, #tpu.memory_space<hbm>>
      %dma_start3A_77 = tpu.memref_slice %arg4[%mul3A_75] : memref<16384xf32, #tpu.memory_space<hbm>> -> memref<512xf32, #tpu.memory_space<hbm>>
      tpu.enqueue_dma source(%arg7 : memref<512xf32, #tpu.memory_space<vmem>>) target(%dma_start3A_77 : memref<512xf32, #tpu.memory_space<hbm>>) target_semaphore(%run_scoped3A : memref<!tpu.dma_semaphore, #tpu.memory_space<semaphore_mem>>)
      %dma_wait3A_78 = tpu.memref_slice %arg4[%mul3A_75] : memref<16384xf32, #tpu.memory_space<hbm>> -> memref<512xf32, #tpu.memory_space<hbm>>
      %dma_wait3A_79 = tpu.memref_slice %arg4[%mul3A_75] : memref<16384xf32, #tpu.memory_space<hbm>> -> memref<512xf32, #tpu.memory_space<hbm>>
      tpu.wait_dma2 semaphore(%run_scoped3A : memref<!tpu.dma_semaphore, #tpu.memory_space<semaphore_mem>>) src(%arg7 : memref<512xf32, #tpu.memory_space<vmem>>) dst(%dma_wait3A_79 : memref<512xf32, #tpu.memory_space<hbm>>)
      tpu.yield
    }) : () -> ()
    return
  }
}

</mosaic_0001>

<sc_bundles>
// kernel: _run.3.cloned.1.call-start
scs
__scs_entry_jumppad:
0x0: {  	(pc) =	sbr.rel $0x88, $3  }
0x1: {  	(tag) =	ssettag $0x0;
	lr =	simm.s32 $0x1  }
0x2: {  	[smem:$0x3F9F] =	sst lr;
	_ =	strace $0xD0000000  }
0x3: {  	_ = 	snop  }
0x4: {  	_ = 	snop  }
0x5: {  	_ = 	snop  }
0x6: {  	_ = 	snop  }
0x7: {  	_ = 	snop  }
__scs_overlays_trampoline_lowered:
0x8: {  	[smem:$0x3FAE] =	sst s0  }
0x9: {  	[smem:$0x3FAF] =	sst s1  }
0xa: {  	[smem:$0x3FB0] =	sst s2  }
0xb: {  	[smem:$0x3FB1] =	sst s3  }
0xc: {  	[smem:$0x3FB2] =	sst s4  }
0xd: {  	[smem:$0x3FB3] =	sst s5  }
0xe: {  	[smem:$0x3FB4] =	sst s6  }
0xf: {  	[smem:$0x3FB5] =	sst s7  }
0x10: {  	[smem:$0x3FB6] =	sst s8  }
0x11: {  	[smem:$0x3FB7] =	sst s9;
	s0 =	simm.s32 @!p0 $0x0  }
0x12: {  	s1 =	sld [smem:$0x3F9D];
	s0 =	simm.s32 @p0 $0x1  }
0x13: {  	[smem:$0x3FB8] =	sst s0;
	s0 =	simm.s32 @!p1 $0x0  }
0x14: {  	s2 =	sld [smem:$0x3F9C];
	s0 =	simm.s32 @p1 $0x1  }
0x15: {  	[smem:$0x3FB9] =	sst s0;
	s0 =	simm.s32 @!p2 $0x0  }
0x16: {  	s3 =	sld [smem:$0x3FDB];
	s0 =	simm.s32 @p2 $0x1  }
0x17: {  	s4 =	simm.s32 $0x1BF5;
	[smem:$0x3FBB] =	sst s0  }
0x18: {  	s0 =	sld [smem:$0x3F9E];
	_ =	swait.ge [sflag:s4], $0x0  }
0x19: {  	s7 =	sld [smem:$0x3F9F]  }
0x1a: {  	s8 =	sadd.s32 $0xFFFFE003, lr  }
0x1b: {  	s9 =	sadd.s32 $0xFFFFFEF7, lr;
	s5 =	simm.s32 $0xFFFFFFFF;
	p2 =	slt.u32 s8, $0xFFFFF086  }
0x1c: {  	p1 =	slt.u32 s9, $0xF7A;
	s5 =	simm.s32 @!p2 $0x0  }
0x1d: {  	s5 =	simm.s32 @p1 $0x1;
	p0 =	seq.s32 s7, s2  }
0x1e: {  	s7 =	smul.u32 @!p0 $0xF7A, s2;
	p2 =	seq.s32 @!p0 s5, $0x0  }
0x1f: {  	s9 =	smul.u32 $0xF7A, s1;
	s8 =	simm.s32 @!p0 $0x1BF5;
	p2 =	por !p2, p0  }
0x20: {  	[sflag:s8] =	ssyncset.s32 @!p0 $0xFFFFF086;
	s6 =	sadd.s32 @!p0 s3, s7;
	s7 =	simm.s32 @!p0 $0x108  }
0x21: {  	s3 =	sadd.s32 s3, s9;
	s6 =	sadd.s32 @!p0 $0x88, s6;
	s7 =	simm.s32 @p2 $0x1082  }
0x22: {  	[simem:s7], [sflag:s8] =	dma.local @!p0 [hbm:s6], $0xF7A  }
0x23: {  	s9 =	sor.u32 $0xD0000000, s2;
	s6 =	simm.s32 $0x108;
	_ =	swait.ge @!p0 [sflag:s8], $0x0  }
0x24: {  	s3 =	sadd.s32 $0x88, s3;
	s6 =	simm.s32 @!p1 $0x1082;
	[sflag:s4] =	ssyncset.s32 $0xFFFFF086  }
0x25: {  	[simem:s6], [sflag:s4] =	dma.local [hbm:s3], $0xF7A  }
0x26: {  	[smem:$0x3F9F] =	sst s1;
	(tag) =	ssettag s2;
	_ =	strace s9  }
0x27: {  	s1 =	sld [smem:$0x3FAF]  }
0x28: {  	s2 =	sld [smem:$0x3FB0]  }
0x29: {  	s4 =	sld [smem:$0x3FB2]  }
0x2a: {  	p0 =	seq.s32 s5, $0x0;
	s5 =	sld [smem:$0x3FB3]  }
0x2b: {  	s6 =	sld [smem:$0x3FB4]  }
0x2c: {  	s7 =	sld [smem:$0x3FB5]  }
0x2d: {  	s3 =	simm.s32 $0x108;
	s8 =	sld [smem:$0x3FB6]  }
0x2e: {  	s3 =	simm.s32 @!p0 $0x1082;
	s9 =	sld [smem:$0x3FB7]  }
0x2f: {  	lr =	sadd.s32 s0, s3;
	s0 =	sld [smem:$0x3FAE]  }
0x30: {  	s3 =	sld [smem:$0x3FB1]  }
0x31: {  	[smem:$0x3FBA] =	sst s10  }
0x32: {  	s10 =	sld [smem:$0x3FB8];
	_ =	sdelay $0x3  }
0x33: {  	p0 =	seq.s32 s10, $0x1;
	s10 =	sld [smem:$0x3FBA];
	_ =	sdelay $0x3  }
0x34: {  	[smem:$0x3FBA] =	sst s10  }
0x35: {  	s10 =	sld [smem:$0x3FB9];
	_ =	sdelay $0x3  }
0x36: {  	p1 =	seq.s32 s10, $0x1;
	s10 =	sld [smem:$0x3FBA];
	_ =	sdelay $0x3  }
0x37: {  	[smem:$0x3FBA] =	sst s10  }
0x38: {  	s10 =	sld [smem:$0x3FBB]  }
0x39: {  	_ = 	snop;
	(pc) =	sbr.ind lr, $3  }
0x3a: {  	_ = 	snop  }
0x3b: {  	_ = 	snop  }
0x3c: {  	p2 =	seq.s32 s10, $0x1;
	s10 =	sld [smem:$0x3FBA]  }
0x3d: {  	_ =	shalt  }
0x3e: {  	_ =	shalt  }
0x3f: {  	_ =	shalt  }
0x40: {  	_ =	shalt  }
0x41: {  	_ =	shalt  }
0x42: {  	_ =	shalt  }
0x43: {  	_ =	shalt  }
0x44: {  	_ =	shalt  }
0x45: {  	_ =	shalt  }
0x46: {  	_ =	shalt  }
0x47: {  	_ =	shalt  }
0x48: {  	_ =	shalt  }
0x49: {  	_ =	shalt  }
0x4a: {  	_ =	shalt  }
0x4b: {  	_ =	shalt  }
0x4c: {  	_ =	shalt  }
0x4d: {  	_ =	shalt  }
0x4e: {  	_ =	shalt  }
0x4f: {  	_ =	shalt  }
0x50: {  	_ =	shalt  }
0x51: {  	_ =	shalt  }
0x52: {  	_ =	shalt  }
0x53: {  	_ =	shalt  }
0x54: {  	_ =	shalt  }
0x55: {  	_ =	shalt  }
0x56: {  	_ =	shalt  }
0x57: {  	_ =	shalt  }
0x58: {  	_ =	shalt  }
0x59: {  	_ =	shalt  }
0x5a: {  	_ =	shalt  }
0x5b: {  	_ =	shalt  }
0x5c: {  	_ =	shalt  }
0x5d: {  	_ =	shalt  }
0x5e: {  	_ =	shalt  }
0x5f: {  	_ =	shalt  }
0x60: {  	_ =	shalt  }
0x61: {  	_ =	shalt  }
0x62: {  	_ =	shalt  }
0x63: {  	_ =	shalt  }
0x64: {  	_ =	shalt  }
0x65: {  	_ =	shalt  }
0x66: {  	_ =	shalt  }
0x67: {  	_ =	shalt  }
0x68: {  	_ =	shalt  }
0x69: {  	_ =	shalt  }
0x6a: {  	_ =	shalt  }
0x6b: {  	_ =	shalt  }
0x6c: {  	_ =	shalt  }
0x6d: {  	_ =	shalt  }
0x6e: {  	_ =	shalt  }
0x6f: {  	_ =	shalt  }
0x70: {  	_ =	shalt  }
0x71: {  	_ =	shalt  }
0x72: {  	_ =	shalt  }
0x73: {  	_ =	shalt  }
0x74: {  	_ =	shalt  }
0x75: {  	_ =	shalt  }
0x76: {  	_ =	shalt  }
0x77: {  	_ =	shalt  }
0x78: {  	_ =	shalt  }
0x79: {  	_ =	shalt  }
0x7a: {  	_ =	shalt  }
0x7b: {  	_ =	shalt  }
0x7c: {  	_ =	shalt  }
0x7d: {  	_ =	shalt  }
0x7e: {  	_ =	shalt  }
0x7f: {  	_ =	shalt  }
0x80: {  	_ =	shalt  }
0x81: {  	_ =	shalt  }
0x82: {  	_ =	shalt  }
0x83: {  	_ =	shalt  }
0x84: {  	_ =	shalt  }
0x85: {  	_ =	shalt  }
0x86: {  	_ =	shalt  }
0x87: {  	_ =	shalt  }
.Lfunc_end0:
.L_simem_size_0:
called_computation_lowered:
.L_overlay_start_0:
0x88: {  	s2 =	sld [smem:$0x3FD9]  }
0x89: {  	s3 =	sld [smem:$0x3FFE];
	_ =	sdelay $0x1  }
0x8a: {  	s1 =	srdreg.scid  }
0x8b: {  	s0 =	sand.u32 $0x1, s1  }
0x8c: {  	s18 =	sshll.u32 s0, $0xA;
	s2 =	sadd.s32 s3, s2  }
0x8d: {  	s2 =	sadd.s32 s2, s18  }
0x8e: {  	[smem:$0x3FC6] =	sst s2  }
0x8f: {  	_ = 	snop  }
0x90: {  	s2 =	sld [smem:$0x3FC9]  }
0x91: {  	s19 =	sld [smem:$0x3FC8]  }
0x92: {  	s4 =	sld [smem:$0x3FD0];
	(tm) =	ssettm $0x1  }
0x93: {  	s5 =	sld [smem:$0x3FFB];
	_ =	sdelay $0x3  }
0x94: {  	_ =	strace s5  }
0x95: {  	s5 =	sld [smem:$0x3FFC];
	_ =	sdelay $0x3  }
0x96: {  	_ =	strace s5  }
0x97: {  	s5 =	sld [smem:$0x3FFD];
	_ =	sdelay $0x3  }
0x98: {  	_ =	strace s5  }
0x99: {  	_ =	strace $0x8FFFFFFF  }
0x9a: {  	s20 =	sld [smem:$0x3FDB];
	_ =	sdelay $0x1  }
0x9b: {  	s6 =	simm.s32 $_scs_section_size  }
0x9c: {  	s7 =	simm.s32 $_size__tile_overlayer_lowered;
	s8 =	simm.s32 $_tile_overlayer_lowered  }
0x9d: {  	s23 =	simm.s32 $0x1BFF;
	s22 =	sshll.u32 s8, $0x1;
	s5 =	sadd.s32 s6, s20  }
0x9e: {  	s9 =	simm.s32 $0x0;
	s21 =	sshll.u32 s7, $0x1;
	s7 =	sadd.s32 s22, s5  }
0x9f: {  	[timem:s9], [sflag:s23] =	dma.local [hbm:s7], s21  }
0xa0: {  	_ =	swait.ge [sflag:s23], s21  }
0xa1: {  	s6 =	ssub.s32 $0x0, s21;
	[sflag:s23] =	ssyncset.done $0x0  }
0xa2: {  	[sflag:s23] =	ssyncadd.s32 s6;
	_ =	sdelay $0x1  }
0xa3: {  	s24 =	simm.s32 $0x1B8B  }
0xa4: {  	_ =	swait.ge [sflag:s24], $0x1  }
0xa5: {  	[sflag:s24] =	ssyncset.done $0x0  }
0xa6: {  	s25 =	simm.s32 $0x1B8E;
	[sflag:s24] =	ssyncadd.s32 $0xFFFFFFFF  }
0xa7: {  	s26 =	simm.s32 $execute0_lowered;
	[smem:$0x3FD2] =	sst s25  }
0xa8: {  	s6 =	sshll.u32 s26, $0x1;
	_ =	strace $0x80000046;
	[dreg:$0x1] =	wrdreg $0xFFFFFFFF  }
0xa9: {  	s28 =	simm.s32 $_size_execute0_lowered;
	s5 =	sadd.s32 s5, s6;
	[dreg:$0x0] =	wrdreg $0x0  }
0xaa: {  	s6 =	sshll.u32 s28, $0x1;
	[dreg:$0x2] =	wrdreg s5  }
0xab: {  	[dreg:$0x3] =	wrdreg s6  }
0xac: {  	[dreg:$0x4] =	wrdreg $0xC0  }
0xad: {  	_ =	task [dreg:s9], $0x5FFFF  }
0xae: {  	[dreg:$0x1] =	wrdreg $0xFFFFFFFF  }
0xaf: {  	[dreg:$0x0] =	wrdreg $0x60  }
0xb0: {  	[dreg:$0x2] =	wrdreg s2  }
0xb1: {  	[dreg:$0x3] =	wrdreg s19  }
0xb2: {  	[dreg:$0x4] =	wrdreg s4  }
0xb3: {  	[dreg:$0x5] =	wrdreg $0x9  }
0xb4: {  	_ =	task.clear_ibuf [dreg:s9], $0x6FFFF;
	_ =	strace $0x90000046  }
0xb5: {  	s29 =	simm.s32 $0x9;
	_ =	strace $0x80000048  }
0xb6: {  	_ =	swait.ge [sflag:s29], $0x1  }
0xb7: {  	[sflag:s29] =	ssyncadd.s32 $0xFFFFFFFF  }
0xb8: {  	_ =	strace $0x90000048  }
0xb9: {  	_ =	sfence  }
0xba: {  	s30 =	sld [smem:$0x0];
	_ =	sdelay $0x2  }
0xbb: {  	s31 =	sshll.u32 s1, $0xD;
	s1 =	sshrl.u32 s1, $0x2  }
0xbc: {  	s3 =	sand.u32 $0x4000, s31;
	s1 =	sadd.s32 s1, s30  }
0xbd: {  	s0 =	sor.u32 s3, s0;
	s1 =	sshll.u32 s1, $0x11  }
0xbe: {  	s0 =	sor.u32 s1, s0  }
0xbf: {  	s0 =	sadd.s32 $0x8F2B, s0  }
0xc0: {  	[sflag:s0] =	ssyncadd.remote.s32 $0x1  }
0xc1: {  	_ =	sfence.sel $0xFFFF  }
0xc2: {  	[dreg:$0x0] =	wrdreg $0xFFFFFFFF;
	(pc) =	sbr.abs _section_cstart, $3  }
0xc3: {  	[dreg:$0x1] =	wrdreg $0xFFFFFFFF  }
0xc4: {  	_ =	task.clear_ibuf [dreg:s9], $0x2FFFF;
	_ =	strace $0x9FFFFFFF  }
0xc5: {  	(tm) =	ssettm $0x7FFFFFFF  }
tec
execute0_lowered:
.L_overlay_start_1:
0x0: {  	(tag) =	ssettag $0x1  }
0x1: {  	s4 =	rddreg [dreg:$0x0]  }
0x2: {  	s1 =	srdreg.scid;
	s2 =	rddreg [dreg:$0x1]  }
0x3: {  	s0 =	stileid.u32;
	s6 =	rddreg [dreg:$0x2];
	s3 =	simm.s32 $0x0  }
0x4: {  	s10 =	simm.s32 $0x3400;
	s11 =	simm.s32 $0x4100;
	s12 =	simm.s32 $0x1A00  }
0x5: {  	s13 =	simm.s32 $0x4E00;
	s14 =	simm.s32 $0x2700;
	s15 =	simm.s32 $0x5B00  }
0x6: {  	s16 =	simm.s32 $0x1;
	s17 =	simm.s32 $0x2;
	s18 =	simm.s32 $0x3  }
0x7: {  	s19 =	simm.s32 $0x4;
	s5 =	sand.u32 $0x1, s1;
	s30 =	sshll.u32 s0, $0x1  }
0x8: {  	s20 =	simm.s32 $0x6800;
	s21 =	simm.s32 $0x0;
	s7 =	sor.u32 s5, s30  }
0x9: {  	[smem:$0x7FF] =	sst s3;
	s5 =	ssub.s32 $0x2, s5;
	s8 =	smul.u32 $0x3400, s7  }
0xa: {  	s1 =	rddreg [dreg:$0x3];
	_ =	strace $0x80000047;
	s9 =	sshrl.u32 s5, $0x1  }
0xb: {  	s7 =	sshll.u32 s7, $0x6;
	s31 =	ssub.s32 s5, s9;
	s8 =	sshrl.u32 s8, $0x3  }
0xc: {  	s6 =	sadd.s32 s6, s7;
	s9 =	simm.s32 $0xD00;
	s4 =	sadd.s32 s4, s8  }
0xd: {  	s7 =	smax.u32 s31, $0x1;
	s8 =	simm.s32 $0x5;
	s5 =	sadd.s32 $0x1A0, s4  }
.LBB2_1:
0xe: {  	[tilespmem:s3], [sflag:$0x5] =	stream.linear.gather [hbm4b:s4+s3], $0xD00, $0x38;
	[tilespmem:$0x6A00] =	vst v63  }
0xf: {  	_ =	swait.ge [sflag:s8], $0xD00  }
0x10: {  	[sflag:s8] =	ssyncset.done $0x0  }
0x11: {  	[sflag:s8] =	ssyncadd.s32 $0xFFFFF300  }
0x12: {  	[tilespmem:s10], [sflag:$0x1] =	stream.indirect.gather [hbm4b:s2+s9], $0x1, s3, s9, $0xb8;
	[tilespmem:$0x6A00] =	vst v63  }
0x13: {  	_ = 	snop  }
0x14: {  	[tilespmem:s9], [sflag:$0x5] =	stream.linear.gather [hbm4b:s5+s3], $0x2700, $0x38;
	[tilespmem:$0x6A00] =	vst v63  }
0x15: {  	_ =	swait.ge [sflag:s8], $0x2700  }
0x16: {  	[sflag:s8] =	ssyncset.done $0x0  }
0x17: {  	[sflag:s8] =	ssyncadd.s32 $0xFFFFD900  }
0x18: {  	[tilespmem:s11], [sflag:$0x2] =	stream.indirect.gather [hbm4b:s2+s9], $0x1, s9, s9, $0xb8;
	[tilespmem:$0x6A00] =	vst v63  }
0x19: {  	_ = 	snop  }
0x1a: {  	[tilespmem:s13], [sflag:$0x3] =	stream.indirect.gather [hbm4b:s2+s9], $0x1, s12, s9, $0xb8;
	[tilespmem:$0x6A00] =	vst v63  }
0x1b: {  	_ = 	snop  }
0x1c: {  	[tilespmem:s15], [sflag:$0x4] =	stream.indirect.gather [hbm4b:s2+s9], $0x1, s14, s9, $0xb8;
	[tilespmem:$0x6A00] =	vst v63  }
0x1d: {  	_ =	swait.ge [sflag:s16], $0xD00  }
0x1e: {  	[sflag:s16] =	ssyncset.done $0x0  }
0x1f: {  	s23 =	simm.s32 $0x0;
	[sflag:s16] =	ssyncadd.s32 $0xFFFFF300  }
0x20: {  	v0 =	vld [tilespmem:s23+$0x3400]  }
0x21: {  	v1 =	vld [tilespmem:s23+$0x3480];
	_ =	sdelay $0x1  }
0x22: {  	v2 =	vld [tilespmem:s23+$0x3500];
	_ =	sdelay $0x1  }
0x23: {  	v3 =	vld [tilespmem:s23+$0x3580]  }
0x24: {  	v0 =	vadd.f32 v1, v0  }
0x25: {  	v1 =	vld [tilespmem:s23+$0x3600]  }
0x26: {  	v0 =	vadd.f32 v2, v0  }
0x27: {  	v2 =	vld [tilespmem:s23+$0x3680]  }
0x28: {  	v0 =	vadd.f32 v3, v0  }
0x29: {  	v3 =	vld [tilespmem:s23+$0x3700]  }
0x2a: {  	v0 =	vadd.f32 v1, v0  }
0x2b: {  	v1 =	vld [tilespmem:s23+$0x3780]  }
0x2c: {  	v0 =	vadd.f32 v2, v0  }
0x2d: {  	v2 =	vld [tilespmem:s23+$0x3800]  }
0x2e: {  	v0 =	vadd.f32 v3, v0  }
0x2f: {  	v3 =	vld [tilespmem:s23+$0x3880]  }
0x30: {  	v0 =	vadd.f32 v1, v0  }
0x31: {  	v1 =	vld [tilespmem:s23+$0x3900]  }
0x32: {  	v0 =	vadd.f32 v2, v0  }
0x33: {  	v2 =	vld [tilespmem:s23+$0x3980]  }
0x34: {  	v0 =	vadd.f32 v3, v0  }
0x35: {  	v3 =	vld [tilespmem:s23+$0x3A00]  }
0x36: {  	s22 =	simm.s32 $0x10;
	v4 =	vld [tilespmem:s23+$0x3A80];
	v0 =	vadd.f32 v1, v0  }
0x37: {  	v5 =	vld [tilespmem:s22+$0x3400]  }
0x38: {  	v1 =	vld [tilespmem:s23+$0x3B00];
	v0 =	vadd.f32 v2, v0  }
0x39: {  	v2 =	vld [tilespmem:s22+$0x3480]  }
0x3a: {  	v6 =	vld [tilespmem:s22+$0x3500];
	v0 =	vadd.f32 v3, v0  }
0x3b: {  	v3 =	vld [tilespmem:s23+$0x3B80]  }
0x3c: {  	v7 =	vld [tilespmem:s22+$0x3580];
	v0 =	vadd.f32 v4, v0  }
0x3d: {  	v4 =	vld [tilespmem:s23+$0x3C00]  }
0x3e: {  	v2 =	vadd.f32 v2, v5;
	v5 =	vld [tilespmem:s22+$0x3600];
	v0 =	vadd.f32 v1, v0  }
0x3f: {  	v1 =	vld [tilespmem:s23+$0x3C80]  }
0x40: {  	v2 =	vadd.f32 v6, v2;
	v6 =	vld [tilespmem:s22+$0x3680];
	v0 =	vadd.f32 v3, v0  }
0x41: {  	v3 =	vld [tilespmem:s23+$0x3D00]  }
0x42: {  	v2 =	vadd.f32 v7, v2;
	v7 =	vld [tilespmem:s22+$0x3700];
	v0 =	vadd.f32 v4, v0  }
0x43: {  	v4 =	vld [tilespmem:s23+$0x3D80]  }
0x44: {  	v2 =	vadd.f32 v5, v2;
	v5 =	vld [tilespmem:s22+$0x3780];
	v0 =	vadd.f32 v1, v0  }
0x45: {  	v1 =	vld [tilespmem:s23+$0x3E00]  }
0x46: {  	v2 =	vadd.f32 v6, v2;
	v6 =	vld [tilespmem:s22+$0x3800];
	v0 =	vadd.f32 v3, v0  }
0x47: {  	v3 =	vld [tilespmem:s23+$0x3E80]  }
0x48: {  	v2 =	vadd.f32 v7, v2;
	v7 =	vld [tilespmem:s22+$0x3880];
	v0 =	vadd.f32 v4, v0  }
0x49: {  	v4 =	vld [tilespmem:s23+$0x3F00]  }
0x4a: {  	v2 =	vadd.f32 v5, v2;
	v5 =	vld [tilespmem:s22+$0x3900];
	v0 =	vadd.f32 v1, v0  }
0x4b: {  	v1 =	vld [tilespmem:s23+$0x3F80]  }
0x4c: {  	v8 =	vld [tilespmem:s22+$0x3980];
	v2 =	vadd.f32 v6, v2;
	v0 =	vadd.f32 v3, v0  }
0x4d: {  	v6 =	vld [tilespmem:s23+$0x4000]  }
0x4e: {  	v3 =	vld [tilespmem:s22+$0x3A00];
	v7 =	vadd.f32 v7, v2;
	v4 =	vadd.f32 v4, v0  }
0x4f: {  	v2 =	vld [tilespmem:s23+$0x4080]  }
0x50: {  	v0 =	vld [tilespmem:s22+$0x3B00];
	v5 =	vadd.f32 v5, v7;
	v7 =	vadd.f32 v1, v4  }
0x51: {  	s24 =	simm.s32 $0x20;
	v4 =	vld [tilespmem:s22+$0x3A80]  }
0x52: {  	s25 =	simm.s32 $0xC0;
	v1 =	vld [tilespmem:s24+$0x3400];
	v5 =	vadd.f32 v8, v5;
	v6 =	vadd.f32 v6, v7  }
.LBB2_2:
0x53: {  	p0 =	sne.s32 s25, $0x1C0;
	v7 =	vld [tilespmem:s24+$0x3480]  }
0x54: {  	v3 =	vadd.f32 v3, v5;
	v5 =	vld [tilespmem:s22+$0x3B80];
	v2 =	vadd.f32 v2, v6  }
0x55: {  	v6 =	vld [tilespmem:s24+$0x3500]  }
0x56: {  	v3 =	vadd.f32 v4, v3;
	v4 =	vld [tilespmem:s22+$0x3C00];
	[tilespmem:s23+$0x6800] =	vst v2;
	s23 =	smov.u32 s22;
	s22 =	smov.u32 s24  }
0x57: {  	v2 =	vld [tilespmem:s22+$0x3580]  }
0x58: {  	v1 =	vadd.f32 v7, v1;
	v0 =	vadd.f32 v0, v3;
	v3 =	vld [tilespmem:s23+$0x3C80]  }
0x59: {  	v7 =	vld [tilespmem:s22+$0x3600]  }
0x5a: {  	v1 =	vadd.f32 v6, v1;
	v0 =	vadd.f32 v5, v0;
	v5 =	vld [tilespmem:s23+$0x3D00]  }
0x5b: {  	v6 =	vld [tilespmem:s22+$0x3680]  }
0x5c: {  	v1 =	vadd.f32 v2, v1;
	v0 =	vadd.f32 v4, v0;
	v2 =	vld [tilespmem:s23+$0x3D80]  }
0x5d: {  	v4 =	vld [tilespmem:s22+$0x3700]  }
0x5e: {  	v1 =	vadd.f32 v7, v1;
	v0 =	vadd.f32 v3, v0;
	v3 =	vld [tilespmem:s23+$0x3E00]  }
0x5f: {  	v7 =	vld [tilespmem:s22+$0x3780]  }
0x60: {  	v1 =	vadd.f32 v6, v1;
	v0 =	vadd.f32 v5, v0;
	v5 =	vld [tilespmem:s23+$0x3E80]  }
0x61: {  	v6 =	vld [tilespmem:s22+$0x3800]  }
0x62: {  	v1 =	vadd.f32 v4, v1;
	v0 =	vadd.f32 v2, v0;
	v2 =	vld [tilespmem:s23+$0x3F00]  }
0x63: {  	v4 =	vld [tilespmem:s22+$0x3880]  }
0x64: {  	v1 =	vadd.f32 v7, v1;
	v0 =	vadd.f32 v3, v0;
	v7 =	vld [tilespmem:s23+$0x3F80]  }
0x65: {  	v8 =	vld [tilespmem:s22+$0x3900]  }
0x66: {  	v1 =	vadd.f32 v6, v1;
	v0 =	vadd.f32 v5, v0;
	v6 =	vld [tilespmem:s23+$0x4000]  }
0x67: {  	v5 =	vld [tilespmem:s22+$0x3980]  }
.Ltmp0:
0x68: {  	v1 =	vadd.f32 v4, v1;
	v4 =	vadd.f32 v2, v0;
	v2 =	vld [tilespmem:s23+$0x4080];
	(pc) =	sbr.rel @p0 .LBB2_2-.Ltmp0, $4  }
0x69: {  	v3 =	vld [tilespmem:s22+$0x3A00]  }
0x6a: {  	v8 =	vadd.f32 v8, v1;
	v0 =	vld [tilespmem:s22+$0x3B00];
	v7 =	vadd.f32 v7, v4  }
0x6b: {  	s24 =	sshra.s32 s25, $0x2;
	v4 =	vld [tilespmem:s22+$0x3A80]  }
0x6c: {  	s25 =	sadd.s32 $0x40, s25;
	v1 =	vld [tilespmem:s24+$0x3400];
	v5 =	vadd.f32 v5, v8;
	v6 =	vadd.f32 v6, v7  }
0x6d: {  	v7 =	vld [tilespmem:s24+$0x3480]  }
0x6e: {  	v8 =	vld [tilespmem:s22+$0x3B80];
	v2 =	vadd.f32 v2, v6  }
0x6f: {  	v6 =	vld [tilespmem:s24+$0x3500]  }
0x70: {  	v9 =	vld [tilespmem:s22+$0x3C00];
	v3 =	vadd.f32 v3, v5;
	[tilespmem:s23+$0x6800] =	vst v2  }
0x71: {  	v2 =	vld [tilespmem:s24+$0x3580]  }
0x72: {  	v3 =	vadd.f32 v4, v3;
	v1 =	vadd.f32 v7, v1  }
0x73: {  	v4 =	vld [tilespmem:s24+$0x3600]  }
0x74: {  	v5 =	vld [tilespmem:s24+$0x3680];
	v0 =	vadd.f32 v0, v3;
	v1 =	vadd.f32 v6, v1  }
0x75: {  	v3 =	vld [tilespmem:s22+$0x3C80]  }
0x76: {  	v0 =	vadd.f32 v8, v0;
	v6 =	vld [tilespmem:s22+$0x3D00];
	v1 =	vadd.f32 v2, v1  }
0x77: {  	v2 =	vld [tilespmem:s24+$0x3700]  }
0x78: {  	v7 =	vld [tilespmem:s22+$0x3D80];
	v0 =	vadd.f32 v9, v0;
	v1 =	vadd.f32 v4, v1  }
0x79: {  	v4 =	vld [tilespmem:s24+$0x3780]  }
0x7a: {  	v0 =	vadd.f32 v3, v0;
	v3 =	vld [tilespmem:s22+$0x3E00];
	v1 =	vadd.f32 v5, v1  }
0x7b: {  	v5 =	vld [tilespmem:s24+$0x3800]  }
0x7c: {  	v0 =	vadd.f32 v6, v0;
	v6 =	vld [tilespmem:s22+$0x3E80];
	v1 =	vadd.f32 v2, v1  }
0x7d: {  	v2 =	vld [tilespmem:s24+$0x3880]  }
0x7e: {  	v0 =	vadd.f32 v7, v0;
	v7 =	vld [tilespmem:s22+$0x3F00];
	v1 =	vadd.f32 v4, v1  }
0x7f: {  	v4 =	vld [tilespmem:s24+$0x3900]  }
0x80: {  	v0 =	vadd.f32 v3, v0;
	v3 =	vld [tilespmem:s22+$0x3F80];
	v1 =	vadd.f32 v5, v1  }
0x81: {  	v5 =	vld [tilespmem:s24+$0x3980]  }
0x82: {  	v0 =	vadd.f32 v6, v0;
	v6 =	vld [tilespmem:s22+$0x4000];
	v1 =	vadd.f32 v2, v1  }
0x83: {  	v2 =	vld [tilespmem:s24+$0x3A00]  }
0x84: {  	v0 =	vadd.f32 v7, v0;
	v7 =	vld [tilespmem:s22+$0x4080];
	v1 =	vadd.f32 v4, v1  }
0x85: {  	v4 =	vld [tilespmem:s24+$0x3A80]  }
0x86: {  	v0 =	vadd.f32 v3, v0;
	v1 =	vadd.f32 v5, v1  }
0x87: {  	v3 =	vld [tilespmem:s24+$0x3B00]  }
0x88: {  	v0 =	vadd.f32 v6, v0;
	v1 =	vadd.f32 v2, v1  }
0x89: {  	v2 =	vld [tilespmem:s24+$0x3B80]  }
0x8a: {  	v0 =	vadd.f32 v7, v0;
	v1 =	vadd.f32 v4, v1  }
0x8b: {  	v4 =	vld [tilespmem:s24+$0x3C00]  }
0x8c: {  	[tilespmem:s22+$0x6800] =	vst v0;
	v0 =	vadd.f32 v3, v1  }
0x8d: {  	v1 =	vld [tilespmem:s24+$0x3C80]  }
0x8e: {  	v0 =	vadd.f32 v2, v0  }
0x8f: {  	v2 =	vld [tilespmem:s24+$0x3D00]  }
0x90: {  	v0 =	vadd.f32 v4, v0  }
0x91: {  	v3 =	vld [tilespmem:s24+$0x3D80]  }
0x92: {  	v0 =	vadd.f32 v1, v0  }
0x93: {  	v1 =	vld [tilespmem:s24+$0x3E00]  }
0x94: {  	v0 =	vadd.f32 v2, v0  }
0x95: {  	v2 =	vld [tilespmem:s24+$0x3E80]  }
0x96: {  	v0 =	vadd.f32 v3, v0  }
0x97: {  	v3 =	vld [tilespmem:s24+$0x3F00]  }
0x98: {  	v0 =	vadd.f32 v1, v0  }
0x99: {  	v1 =	vld [tilespmem:s24+$0x3F80]  }
0x9a: {  	v0 =	vadd.f32 v2, v0  }
0x9b: {  	v2 =	vld [tilespmem:s24+$0x4000]  }
0x9c: {  	v0 =	vadd.f32 v3, v0  }
0x9d: {  	v3 =	vld [tilespmem:s24+$0x4080]  }
0x9e: {  	v0 =	vadd.f32 v1, v0;
	_ =	sdelay $0x1  }
0x9f: {  	v0 =	vadd.f32 v2, v0;
	_ =	sdelay $0x1  }
0xa0: {  	v0 =	vadd.f32 v3, v0;
	_ =	sdelay $0x1  }
0xa1: {  	[tilespmem:s24+$0x6800] =	vst v0  }
0xa2: {  	_ =	swait.ge [sflag:s17], $0xD00  }
0xa3: {  	[sflag:s17] =	ssyncset.done $0x0  }
0xa4: {  	s23 =	simm.s32 $0x0;
	[sflag:s17] =	ssyncadd.s32 $0xFFFFF300  }
0xa5: {  	v0 =	vld [tilespmem:s23+$0x4100]  }
0xa6: {  	v1 =	vld [tilespmem:s23+$0x4180];
	_ =	sdelay $0x1  }
0xa7: {  	v2 =	vld [tilespmem:s23+$0x4200];
	_ =	sdelay $0x1  }
0xa8: {  	v3 =	vld [tilespmem:s23+$0x4280]  }
0xa9: {  	v0 =	vadd.f32 v1, v0  }
0xaa: {  	v1 =	vld [tilespmem:s23+$0x4300]  }
0xab: {  	v0 =	vadd.f32 v2, v0  }
0xac: {  	v2 =	vld [tilespmem:s23+$0x4380]  }
0xad: {  	v0 =	vadd.f32 v3, v0  }
0xae: {  	v3 =	vld [tilespmem:s23+$0x4400]  }
0xaf: {  	v0 =	vadd.f32 v1, v0  }
0xb0: {  	v1 =	vld [tilespmem:s23+$0x4480]  }
0xb1: {  	v0 =	vadd.f32 v2, v0  }
0xb2: {  	v2 =	vld [tilespmem:s23+$0x4500]  }
0xb3: {  	v0 =	vadd.f32 v3, v0  }
0xb4: {  	v3 =	vld [tilespmem:s23+$0x4580]  }
0xb5: {  	v0 =	vadd.f32 v1, v0  }
0xb6: {  	v1 =	vld [tilespmem:s23+$0x4600]  }
0xb7: {  	v0 =	vadd.f32 v2, v0  }
0xb8: {  	v2 =	vld [tilespmem:s23+$0x4680]  }
0xb9: {  	v0 =	vadd.f32 v3, v0  }
0xba: {  	v3 =	vld [tilespmem:s23+$0x4700]  }
0xbb: {  	s22 =	simm.s32 $0x10;
	v4 =	vld [tilespmem:s23+$0x4780];
	v0 =	vadd.f32 v1, v0  }
0xbc: {  	v5 =	vld [tilespmem:s22+$0x4100]  }
0xbd: {  	v1 =	vld [tilespmem:s23+$0x4800];
	v0 =	vadd.f32 v2, v0  }
0xbe: {  	v2 =	vld [tilespmem:s22+$0x4180]  }
0xbf: {  	v6 =	vld [tilespmem:s22+$0x4200];
	v0 =	vadd.f32 v3, v0  }
0xc0: {  	v3 =	vld [tilespmem:s23+$0x4880]  }
0xc1: {  	v7 =	vld [tilespmem:s22+$0x4280];
	v0 =	vadd.f32 v4, v0  }
0xc2: {  	v4 =	vld [tilespmem:s23+$0x4900]  }
0xc3: {  	v2 =	vadd.f32 v2, v5;
	v5 =	vld [tilespmem:s22+$0x4300];
	v0 =	vadd.f32 v1, v0  }
0xc4: {  	v1 =	vld [tilespmem:s23+$0x4980]  }
0xc5: {  	v2 =	vadd.f32 v6, v2;
	v6 =	vld [tilespmem:s22+$0x4380];
	v0 =	vadd.f32 v3, v0  }
0xc6: {  	v3 =	vld [tilespmem:s23+$0x4A00]  }
0xc7: {  	v2 =	vadd.f32 v7, v2;
	v7 =	vld [tilespmem:s22+$0x4400];
	v0 =	vadd.f32 v4, v0  }
0xc8: {  	v4 =	vld [tilespmem:s23+$0x4A80]  }
0xc9: {  	v2 =	vadd.f32 v5, v2;
	v5 =	vld [tilespmem:s22+$0x4480];
	v0 =	vadd.f32 v1, v0  }
0xca: {  	v1 =	vld [tilespmem:s23+$0x4B00]  }
0xcb: {  	v2 =	vadd.f32 v6, v2;
	v6 =	vld [tilespmem:s22+$0x4500];
	v0 =	vadd.f32 v3, v0  }
0xcc: {  	v3 =	vld [tilespmem:s23+$0x4B80]  }
0xcd: {  	v2 =	vadd.f32 v7, v2;
	v7 =	vld [tilespmem:s22+$0x4580];
	v0 =	vadd.f32 v4, v0  }
0xce: {  	v4 =	vld [tilespmem:s23+$0x4C00]  }
0xcf: {  	v2 =	vadd.f32 v5, v2;
	v5 =	vld [tilespmem:s22+$0x4600];
	v0 =	vadd.f32 v1, v0  }
0xd0: {  	v1 =	vld [tilespmem:s23+$0x4C80]  }
0xd1: {  	v8 =	vld [tilespmem:s22+$0x4680];
	v2 =	vadd.f32 v6, v2;
	v0 =	vadd.f32 v3, v0  }
0xd2: {  	v6 =	vld [tilespmem:s23+$0x4D00]  }
0xd3: {  	v3 =	vld [tilespmem:s22+$0x4700];
	v7 =	vadd.f32 v7, v2;
	v4 =	vadd.f32 v4, v0  }
0xd4: {  	v2 =	vld [tilespmem:s23+$0x4D80]  }
0xd5: {  	v0 =	vld [tilespmem:s22+$0x4800];
	v5 =	vadd.f32 v5, v7;
	v7 =	vadd.f32 v1, v4  }
0xd6: {  	s24 =	simm.s32 $0x20;
	v4 =	vld [tilespmem:s22+$0x4780]  }
0xd7: {  	s25 =	simm.s32 $0xC0;
	v1 =	vld [tilespmem:s24+$0x4100];
	v5 =	vadd.f32 v8, v5;
	v6 =	vadd.f32 v6, v7  }
.LBB2_4:
0xd8: {  	p0 =	sne.s32 s25, $0x1C0;
	v7 =	vld [tilespmem:s24+$0x4180]  }
0xd9: {  	v3 =	vadd.f32 v3, v5;
	v5 =	vld [tilespmem:s22+$0x4880];
	v2 =	vadd.f32 v2, v6  }
0xda: {  	v6 =	vld [tilespmem:s24+$0x4200]  }
0xdb: {  	v3 =	vadd.f32 v4, v3;
	v4 =	vld [tilespmem:s22+$0x4900];
	[tilespmem:s23+$0x6880] =	vst v2;
	s23 =	smov.u32 s22;
	s22 =	smov.u32 s24  }
0xdc: {  	v2 =	vld [tilespmem:s22+$0x4280]  }
0xdd: {  	v1 =	vadd.f32 v7, v1;
	v0 =	vadd.f32 v0, v3;
	v3 =	vld [tilespmem:s23+$0x4980]  }
0xde: {  	v7 =	vld [tilespmem:s22+$0x4300]  }
0xdf: {  	v1 =	vadd.f32 v6, v1;
	v0 =	vadd.f32 v5, v0;
	v5 =	vld [tilespmem:s23+$0x4A00]  }
0xe0: {  	v6 =	vld [tilespmem:s22+$0x4380]  }
0xe1: {  	v1 =	vadd.f32 v2, v1;
	v0 =	vadd.f32 v4, v0;
	v2 =	vld [tilespmem:s23+$0x4A80]  }
0xe2: {  	v4 =	vld [tilespmem:s22+$0x4400]  }
0xe3: {  	v1 =	vadd.f32 v7, v1;
	v0 =	vadd.f32 v3, v0;
	v3 =	vld [tilespmem:s23+$0x4B00]  }
0xe4: {  	v7 =	vld [tilespmem:s22+$0x4480]  }
0xe5: {  	v1 =	vadd.f32 v6, v1;
	v0 =	vadd.f32 v5, v0;
	v5 =	vld [tilespmem:s23+$0x4B80]  }
0xe6: {  	v6 =	vld [tilespmem:s22+$0x4500]  }
0xe7: {  	v1 =	vadd.f32 v4, v1;
	v0 =	vadd.f32 v2, v0;
	v2 =	vld [tilespmem:s23+$0x4C00]  }
0xe8: {  	v4 =	vld [tilespmem:s22+$0x4580]  }
0xe9: {  	v1 =	vadd.f32 v7, v1;
	v0 =	vadd.f32 v3, v0;
	v7 =	vld [tilespmem:s23+$0x4C80]  }
0xea: {  	v8 =	vld [tilespmem:s22+$0x4600]  }
0xeb: {  	v1 =	vadd.f32 v6, v1;
	v0 =	vadd.f32 v5, v0;
	v6 =	vld [tilespmem:s23+$0x4D00]  }
0xec: {  	v5 =	vld [tilespmem:s22+$0x4680]  }
.Ltmp1:
0xed: {  	v1 =	vadd.f32 v4, v1;
	v4 =	vadd.f32 v2, v0;
	v2 =	vld [tilespmem:s23+$0x4D80];
	(pc) =	sbr.rel @p0 .LBB2_4-.Ltmp1, $4  }
0xee: {  	v3 =	vld [tilespmem:s22+$0x4700]  }
0xef: {  	v8 =	vadd.f32 v8, v1;
	v0 =	vld [tilespmem:s22+$0x4800];
	v7 =	vadd.f32 v7, v4  }
0xf0: {  	s24 =	sshra.s32 s25, $0x2;
	v4 =	vld [tilespmem:s22+$0x4780]  }
0xf1: {  	s25 =	sadd.s32 $0x40, s25;
	v1 =	vld [tilespmem:s24+$0x4100];
	v5 =	vadd.f32 v5, v8;
	v6 =	vadd.f32 v6, v7  }
0xf2: {  	v7 =	vld [tilespmem:s24+$0x4180]  }
0xf3: {  	v8 =	vld [tilespmem:s22+$0x4880];
	v2 =	vadd.f32 v2, v6  }
0xf4: {  	v6 =	vld [tilespmem:s24+$0x4200]  }
0xf5: {  	v9 =	vld [tilespmem:s22+$0x4900];
	v3 =	vadd.f32 v3, v5;
	[tilespmem:s23+$0x6880] =	vst v2  }
0xf6: {  	v2 =	vld [tilespmem:s24+$0x4280]  }
0xf7: {  	v3 =	vadd.f32 v4, v3;
	v1 =	vadd.f32 v7, v1  }
0xf8: {  	v4 =	vld [tilespmem:s24+$0x4300]  }
0xf9: {  	v5 =	vld [tilespmem:s24+$0x4380];
	v0 =	vadd.f32 v0, v3;
	v1 =	vadd.f32 v6, v1  }
0xfa: {  	v3 =	vld [tilespmem:s22+$0x4980]  }
0xfb: {  	v0 =	vadd.f32 v8, v0;
	v6 =	vld [tilespmem:s22+$0x4A00];
	v1 =	vadd.f32 v2, v1  }
0xfc: {  	v2 =	vld [tilespmem:s24+$0x4400]  }
0xfd: {  	v7 =	vld [tilespmem:s22+$0x4A80];
	v0 =	vadd.f32 v9, v0;
	v1 =	vadd.f32 v4, v1  }
0xfe: {  	v4 =	vld [tilespmem:s24+$0x4480]  }
0xff: {  	v0 =	vadd.f32 v3, v0;
	v3 =	vld [tilespmem:s22+$0x4B00];
	v1 =	vadd.f32 v5, v1  }
0x100: {  	v5 =	vld [tilespmem:s24+$0x4500]  }
0x101: {  	v0 =	vadd.f32 v6, v0;
	v6 =	vld [tilespmem:s22+$0x4B80];
	v1 =	vadd.f32 v2, v1  }
0x102: {  	v2 =	vld [tilespmem:s24+$0x4580]  }
0x103: {  	v0 =	vadd.f32 v7, v0;
	v7 =	vld [tilespmem:s22+$0x4C00];
	v1 =	vadd.f32 v4, v1  }
0x104: {  	v4 =	vld [tilespmem:s24+$0x4600]  }
0x105: {  	v0 =	vadd.f32 v3, v0;
	v3 =	vld [tilespmem:s22+$0x4C80];
	v1 =	vadd.f32 v5, v1  }
0x106: {  	v5 =	vld [tilespmem:s24+$0x4680]  }
0x107: {  	v0 =	vadd.f32 v6, v0;
	v6 =	vld [tilespmem:s22+$0x4D00];
	v1 =	vadd.f32 v2, v1  }
0x108: {  	v2 =	vld [tilespmem:s24+$0x4700]  }
0x109: {  	v0 =	vadd.f32 v7, v0;
	v7 =	vld [tilespmem:s22+$0x4D80];
	v1 =	vadd.f32 v4, v1  }
0x10a: {  	v4 =	vld [tilespmem:s24+$0x4780]  }
0x10b: {  	v0 =	vadd.f32 v3, v0;
	v1 =	vadd.f32 v5, v1  }
0x10c: {  	v3 =	vld [tilespmem:s24+$0x4800]  }
0x10d: {  	v0 =	vadd.f32 v6, v0;
	v1 =	vadd.f32 v2, v1  }
0x10e: {  	v2 =	vld [tilespmem:s24+$0x4880]  }
0x10f: {  	v0 =	vadd.f32 v7, v0;
	v1 =	vadd.f32 v4, v1  }
0x110: {  	v4 =	vld [tilespmem:s24+$0x4900]  }
0x111: {  	[tilespmem:s22+$0x6880] =	vst v0;
	v0 =	vadd.f32 v3, v1  }
0x112: {  	v1 =	vld [tilespmem:s24+$0x4980]  }
0x113: {  	v0 =	vadd.f32 v2, v0  }
0x114: {  	v2 =	vld [tilespmem:s24+$0x4A00]  }
0x115: {  	v0 =	vadd.f32 v4, v0  }
0x116: {  	v3 =	vld [tilespmem:s24+$0x4A80]  }
0x117: {  	v0 =	vadd.f32 v1, v0  }
0x118: {  	v1 =	vld [tilespmem:s24+$0x4B00]  }
0x119: {  	v0 =	vadd.f32 v2, v0  }
0x11a: {  	v2 =	vld [tilespmem:s24+$0x4B80]  }
0x11b: {  	v0 =	vadd.f32 v3, v0  }
0x11c: {  	v3 =	vld [tilespmem:s24+$0x4C00]  }
0x11d: {  	v0 =	vadd.f32 v1, v0  }
0x11e: {  	v1 =	vld [tilespmem:s24+$0x4C80]  }
0x11f: {  	v0 =	vadd.f32 v2, v0  }
0x120: {  	v2 =	vld [tilespmem:s24+$0x4D00]  }
0x121: {  	v0 =	vadd.f32 v3, v0  }
0x122: {  	v3 =	vld [tilespmem:s24+$0x4D80]  }
0x123: {  	v0 =	vadd.f32 v1, v0;
	_ =	sdelay $0x1  }
0x124: {  	v0 =	vadd.f32 v2, v0;
	_ =	sdelay $0x1  }
0x125: {  	v0 =	vadd.f32 v3, v0;
	_ =	sdelay $0x1  }
0x126: {  	[tilespmem:s24+$0x6880] =	vst v0  }
0x127: {  	_ =	swait.ge [sflag:s18], $0xD00  }
0x128: {  	[sflag:s18] =	ssyncset.done $0x0  }
0x129: {  	s23 =	simm.s32 $0x0;
	[sflag:s18] =	ssyncadd.s32 $0xFFFFF300  }
0x12a: {  	v0 =	vld [tilespmem:s23+$0x4E00]  }
0x12b: {  	v1 =	vld [tilespmem:s23+$0x4E80];
	_ =	sdelay $0x1  }
0x12c: {  	v2 =	vld [tilespmem:s23+$0x4F00];
	_ =	sdelay $0x1  }
0x12d: {  	v3 =	vld [tilespmem:s23+$0x4F80]  }
0x12e: {  	v0 =	vadd.f32 v1, v0  }
0x12f: {  	v1 =	vld [tilespmem:s23+$0x5000]  }
0x130: {  	v0 =	vadd.f32 v2, v0  }
0x131: {  	v2 =	vld [tilespmem:s23+$0x5080]  }
0x132: {  	v0 =	vadd.f32 v3, v0  }
0x133: {  	v3 =	vld [tilespmem:s23+$0x5100]  }
0x134: {  	v0 =	vadd.f32 v1, v0  }
0x135: {  	v1 =	vld [tilespmem:s23+$0x5180]  }
0x136: {  	v0 =	vadd.f32 v2, v0  }
0x137: {  	v2 =	vld [tilespmem:s23+$0x5200]  }
0x138: {  	v0 =	vadd.f32 v3, v0  }
0x139: {  	v3 =	vld [tilespmem:s23+$0x5280]  }
0x13a: {  	v0 =	vadd.f32 v1, v0  }
0x13b: {  	v1 =	vld [tilespmem:s23+$0x5300]  }
0x13c: {  	v0 =	vadd.f32 v2, v0  }
0x13d: {  	v2 =	vld [tilespmem:s23+$0x5380]  }
0x13e: {  	v0 =	vadd.f32 v3, v0  }
0x13f: {  	v3 =	vld [tilespmem:s23+$0x5400]  }
0x140: {  	s22 =	simm.s32 $0x10;
	v4 =	vld [tilespmem:s23+$0x5480];
	v0 =	vadd.f32 v1, v0  }
0x141: {  	v5 =	vld [tilespmem:s22+$0x4E00]  }
0x142: {  	v1 =	vld [tilespmem:s23+$0x5500];
	v0 =	vadd.f32 v2, v0  }
0x143: {  	v2 =	vld [tilespmem:s22+$0x4E80]  }
0x144: {  	v6 =	vld [tilespmem:s22+$0x4F00];
	v0 =	vadd.f32 v3, v0  }
0x145: {  	v3 =	vld [tilespmem:s23+$0x5580]  }
0x146: {  	v7 =	vld [tilespmem:s22+$0x4F80];
	v0 =	vadd.f32 v4, v0  }
0x147: {  	v4 =	vld [tilespmem:s23+$0x5600]  }
0x148: {  	v2 =	vadd.f32 v2, v5;
	v5 =	vld [tilespmem:s22+$0x5000];
	v0 =	vadd.f32 v1, v0  }
0x149: {  	v1 =	vld [tilespmem:s23+$0x5680]  }
0x14a: {  	v2 =	vadd.f32 v6, v2;
	v6 =	vld [tilespmem:s22+$0x5080];
	v0 =	vadd.f32 v3, v0  }
0x14b: {  	v3 =	vld [tilespmem:s23+$0x5700]  }
0x14c: {  	v2 =	vadd.f32 v7, v2;
	v7 =	vld [tilespmem:s22+$0x5100];
	v0 =	vadd.f32 v4, v0  }
0x14d: {  	v4 =	vld [tilespmem:s23+$0x5780]  }
0x14e: {  	v2 =	vadd.f32 v5, v2;
	v5 =	vld [tilespmem:s22+$0x5180];
	v0 =	vadd.f32 v1, v0  }
0x14f: {  	v1 =	vld [tilespmem:s23+$0x5800]  }
0x150: {  	v2 =	vadd.f32 v6, v2;
	v6 =	vld [tilespmem:s22+$0x5200];
	v0 =	vadd.f32 v3, v0  }
0x151: {  	v3 =	vld [tilespmem:s23+$0x5880]  }
0x152: {  	v2 =	vadd.f32 v7, v2;
	v7 =	vld [tilespmem:s22+$0x5280];
	v0 =	vadd.f32 v4, v0  }
0x153: {  	v4 =	vld [tilespmem:s23+$0x5900]  }
0x154: {  	v2 =	vadd.f32 v5, v2;
	v5 =	vld [tilespmem:s22+$0x5300];
	v0 =	vadd.f32 v1, v0  }
0x155: {  	v1 =	vld [tilespmem:s23+$0x5980]  }
0x156: {  	v8 =	vld [tilespmem:s22+$0x5380];
	v2 =	vadd.f32 v6, v2;
	v0 =	vadd.f32 v3, v0  }
0x157: {  	v6 =	vld [tilespmem:s23+$0x5A00]  }
0x158: {  	v3 =	vld [tilespmem:s22+$0x5400];
	v7 =	vadd.f32 v7, v2;
	v4 =	vadd.f32 v4, v0  }
0x159: {  	v2 =	vld [tilespmem:s23+$0x5A80]  }
0x15a: {  	v0 =	vld [tilespmem:s22+$0x5500];
	v5 =	vadd.f32 v5, v7;
	v7 =	vadd.f32 v1, v4  }
0x15b: {  	s24 =	simm.s32 $0x20;
	v4 =	vld [tilespmem:s22+$0x5480]  }
0x15c: {  	s25 =	simm.s32 $0xC0;
	v1 =	vld [tilespmem:s24+$0x4E00];
	v5 =	vadd.f32 v8, v5;
	v6 =	vadd.f32 v6, v7  }
.LBB2_6:
0x15d: {  	p0 =	sne.s32 s25, $0x1C0;
	v7 =	vld [tilespmem:s24+$0x4E80]  }
0x15e: {  	v3 =	vadd.f32 v3, v5;
	v5 =	vld [tilespmem:s22+$0x5580];
	v2 =	vadd.f32 v2, v6  }
0x15f: {  	v6 =	vld [tilespmem:s24+$0x4F00]  }
0x160: {  	v3 =	vadd.f32 v4, v3;
	v4 =	vld [tilespmem:s22+$0x5600];
	[tilespmem:s23+$0x6900] =	vst v2;
	s23 =	smov.u32 s22;
	s22 =	smov.u32 s24  }
0x161: {  	v2 =	vld [tilespmem:s22+$0x4F80]  }
0x162: {  	v1 =	vadd.f32 v7, v1;
	v0 =	vadd.f32 v0, v3;
	v3 =	vld [tilespmem:s23+$0x5680]  }
0x163: {  	v7 =	vld [tilespmem:s22+$0x5000]  }
0x164: {  	v1 =	vadd.f32 v6, v1;
	v0 =	vadd.f32 v5, v0;
	v5 =	vld [tilespmem:s23+$0x5700]  }
0x165: {  	v6 =	vld [tilespmem:s22+$0x5080]  }
0x166: {  	v1 =	vadd.f32 v2, v1;
	v0 =	vadd.f32 v4, v0;
	v2 =	vld [tilespmem:s23+$0x5780]  }
0x167: {  	v4 =	vld [tilespmem:s22+$0x5100]  }
0x168: {  	v1 =	vadd.f32 v7, v1;
	v0 =	vadd.f32 v3, v0;
	v3 =	vld [tilespmem:s23+$0x5800]  }
0x169: {  	v7 =	vld [tilespmem:s22+$0x5180]  }
0x16a: {  	v1 =	vadd.f32 v6, v1;
	v0 =	vadd.f32 v5, v0;
	v5 =	vld [tilespmem:s23+$0x5880]  }
0x16b: {  	v6 =	vld [tilespmem:s22+$0x5200]  }
0x16c: {  	v1 =	vadd.f32 v4, v1;
	v0 =	vadd.f32 v2, v0;
	v2 =	vld [tilespmem:s23+$0x5900]  }
0x16d: {  	v4 =	vld [tilespmem:s22+$0x5280]  }
0x16e: {  	v1 =	vadd.f32 v7, v1;
	v0 =	vadd.f32 v3, v0;
	v7 =	vld [tilespmem:s23+$0x5980]  }
0x16f: {  	v8 =	vld [tilespmem:s22+$0x5300]  }
0x170: {  	v1 =	vadd.f32 v6, v1;
	v0 =	vadd.f32 v5, v0;
	v6 =	vld [tilespmem:s23+$0x5A00]  }
0x171: {  	v5 =	vld [tilespmem:s22+$0x5380]  }
.Ltmp2:
0x172: {  	v1 =	vadd.f32 v4, v1;
	v4 =	vadd.f32 v2, v0;
	v2 =	vld [tilespmem:s23+$0x5A80];
	(pc) =	sbr.rel @p0 .LBB2_6-.Ltmp2, $4  }
0x173: {  	v3 =	vld [tilespmem:s22+$0x5400]  }
0x174: {  	v8 =	vadd.f32 v8, v1;
	v0 =	vld [tilespmem:s22+$0x5500];
	v7 =	vadd.f32 v7, v4  }
0x175: {  	s24 =	sshra.s32 s25, $0x2;
	v4 =	vld [tilespmem:s22+$0x5480]  }
0x176: {  	s25 =	sadd.s32 $0x40, s25;
	v1 =	vld [tilespmem:s24+$0x4E00];
	v5 =	vadd.f32 v5, v8;
	v6 =	vadd.f32 v6, v7  }
0x177: {  	v7 =	vld [tilespmem:s24+$0x4E80]  }
0x178: {  	v8 =	vld [tilespmem:s22+$0x5580];
	v2 =	vadd.f32 v2, v6  }
0x179: {  	v6 =	vld [tilespmem:s24+$0x4F00]  }
0x17a: {  	v9 =	vld [tilespmem:s22+$0x5600];
	v3 =	vadd.f32 v3, v5;
	[tilespmem:s23+$0x6900] =	vst v2  }
0x17b: {  	v2 =	vld [tilespmem:s24+$0x4F80]  }
0x17c: {  	v3 =	vadd.f32 v4, v3;
	v1 =	vadd.f32 v7, v1  }
0x17d: {  	v4 =	vld [tilespmem:s24+$0x5000]  }
0x17e: {  	v5 =	vld [tilespmem:s24+$0x5080];
	v0 =	vadd.f32 v0, v3;
	v1 =	vadd.f32 v6, v1  }
0x17f: {  	v3 =	vld [tilespmem:s22+$0x5680]  }
0x180: {  	v0 =	vadd.f32 v8, v0;
	v6 =	vld [tilespmem:s22+$0x5700];
	v1 =	vadd.f32 v2, v1  }
0x181: {  	v2 =	vld [tilespmem:s24+$0x5100]  }
0x182: {  	v7 =	vld [tilespmem:s22+$0x5780];
	v0 =	vadd.f32 v9, v0;
	v1 =	vadd.f32 v4, v1  }
0x183: {  	v4 =	vld [tilespmem:s24+$0x5180]  }
0x184: {  	v0 =	vadd.f32 v3, v0;
	v3 =	vld [tilespmem:s22+$0x5800];
	v1 =	vadd.f32 v5, v1  }
0x185: {  	v5 =	vld [tilespmem:s24+$0x5200]  }
0x186: {  	v0 =	vadd.f32 v6, v0;
	v6 =	vld [tilespmem:s22+$0x5880];
	v1 =	vadd.f32 v2, v1  }
0x187: {  	v2 =	vld [tilespmem:s24+$0x5280]  }
0x188: {  	v0 =	vadd.f32 v7, v0;
	v7 =	vld [tilespmem:s22+$0x5900];
	v1 =	vadd.f32 v4, v1  }
0x189: {  	v4 =	vld [tilespmem:s24+$0x5300]  }
0x18a: {  	v0 =	vadd.f32 v3, v0;
	v3 =	vld [tilespmem:s22+$0x5980];
	v1 =	vadd.f32 v5, v1  }
0x18b: {  	v5 =	vld [tilespmem:s24+$0x5380]  }
0x18c: {  	v0 =	vadd.f32 v6, v0;
	v6 =	vld [tilespmem:s22+$0x5A00];
	v1 =	vadd.f32 v2, v1  }
0x18d: {  	v2 =	vld [tilespmem:s24+$0x5400]  }
0x18e: {  	v0 =	vadd.f32 v7, v0;
	v7 =	vld [tilespmem:s22+$0x5A80];
	v1 =	vadd.f32 v4, v1  }
0x18f: {  	v4 =	vld [tilespmem:s24+$0x5480]  }
0x190: {  	v0 =	vadd.f32 v3, v0;
	v1 =	vadd.f32 v5, v1  }
0x191: {  	v3 =	vld [tilespmem:s24+$0x5500]  }
0x192: {  	v0 =	vadd.f32 v6, v0;
	v1 =	vadd.f32 v2, v1  }
0x193: {  	v2 =	vld [tilespmem:s24+$0x5580]  }
0x194: {  	v0 =	vadd.f32 v7, v0;
	v1 =	vadd.f32 v4, v1  }
0x195: {  	v4 =	vld [tilespmem:s24+$0x5600]  }
0x196: {  	[tilespmem:s22+$0x6900] =	vst v0;
	v0 =	vadd.f32 v3, v1  }
0x197: {  	v1 =	vld [tilespmem:s24+$0x5680]  }
0x198: {  	v0 =	vadd.f32 v2, v0  }
0x199: {  	v2 =	vld [tilespmem:s24+$0x5700]  }
0x19a: {  	v0 =	vadd.f32 v4, v0  }
0x19b: {  	v3 =	vld [tilespmem:s24+$0x5780]  }
0x19c: {  	v0 =	vadd.f32 v1, v0  }
0x19d: {  	v1 =	vld [tilespmem:s24+$0x5800]  }
0x19e: {  	v0 =	vadd.f32 v2, v0  }
0x19f: {  	v2 =	vld [tilespmem:s24+$0x5880]  }
0x1a0: {  	v0 =	vadd.f32 v3, v0  }
0x1a1: {  	v3 =	vld [tilespmem:s24+$0x5900]  }
0x1a2: {  	v0 =	vadd.f32 v1, v0  }
0x1a3: {  	v1 =	vld [tilespmem:s24+$0x5980]  }
0x1a4: {  	v0 =	vadd.f32 v2, v0  }
0x1a5: {  	v2 =	vld [tilespmem:s24+$0x5A00]  }
0x1a6: {  	v0 =	vadd.f32 v3, v0  }
0x1a7: {  	v3 =	vld [tilespmem:s24+$0x5A80]  }
0x1a8: {  	v0 =	vadd.f32 v1, v0;
	_ =	sdelay $0x1  }
0x1a9: {  	v0 =	vadd.f32 v2, v0;
	_ =	sdelay $0x1  }
0x1aa: {  	v0 =	vadd.f32 v3, v0;
	_ =	sdelay $0x1  }
0x1ab: {  	[tilespmem:s24+$0x6900] =	vst v0  }
0x1ac: {  	_ =	swait.ge [sflag:s19], $0xD00  }
0x1ad: {  	[sflag:s19] =	ssyncset.done $0x0  }
0x1ae: {  	s23 =	simm.s32 $0x0;
	[sflag:s19] =	ssyncadd.s32 $0xFFFFF300  }
0x1af: {  	v0 =	vld [tilespmem:s23+$0x5B00]  }
0x1b0: {  	v1 =	vld [tilespmem:s23+$0x5B80];
	_ =	sdelay $0x1  }
0x1b1: {  	v2 =	vld [tilespmem:s23+$0x5C00];
	_ =	sdelay $0x1  }
0x1b2: {  	v3 =	vld [tilespmem:s23+$0x5C80]  }
0x1b3: {  	v0 =	vadd.f32 v1, v0  }
0x1b4: {  	v1 =	vld [tilespmem:s23+$0x5D00]  }
0x1b5: {  	v0 =	vadd.f32 v2, v0  }
0x1b6: {  	v2 =	vld [tilespmem:s23+$0x5D80]  }
0x1b7: {  	v0 =	vadd.f32 v3, v0  }
0x1b8: {  	v3 =	vld [tilespmem:s23+$0x5E00]  }
0x1b9: {  	v0 =	vadd.f32 v1, v0  }
0x1ba: {  	v1 =	vld [tilespmem:s23+$0x5E80]  }
0x1bb: {  	v0 =	vadd.f32 v2, v0  }
0x1bc: {  	v2 =	vld [tilespmem:s23+$0x5F00]  }
0x1bd: {  	v0 =	vadd.f32 v3, v0  }
0x1be: {  	v3 =	vld [tilespmem:s23+$0x5F80]  }
0x1bf: {  	v0 =	vadd.f32 v1, v0  }
0x1c0: {  	v1 =	vld [tilespmem:s23+$0x6000]  }
0x1c1: {  	v0 =	vadd.f32 v2, v0  }
0x1c2: {  	v2 =	vld [tilespmem:s23+$0x6080]  }
0x1c3: {  	v0 =	vadd.f32 v3, v0  }
0x1c4: {  	v3 =	vld [tilespmem:s23+$0x6100]  }
0x1c5: {  	s22 =	simm.s32 $0x10;
	v4 =	vld [tilespmem:s23+$0x6180];
	v0 =	vadd.f32 v1, v0  }
0x1c6: {  	v5 =	vld [tilespmem:s22+$0x5B00]  }
0x1c7: {  	v1 =	vld [tilespmem:s23+$0x6200];
	v0 =	vadd.f32 v2, v0  }
0x1c8: {  	v2 =	vld [tilespmem:s22+$0x5B80]  }
0x1c9: {  	v6 =	vld [tilespmem:s22+$0x5C00];
	v0 =	vadd.f32 v3, v0  }
0x1ca: {  	v3 =	vld [tilespmem:s23+$0x6280]  }
0x1cb: {  	v7 =	vld [tilespmem:s22+$0x5C80];
	v0 =	vadd.f32 v4, v0  }
0x1cc: {  	v4 =	vld [tilespmem:s23+$0x6300]  }
0x1cd: {  	v2 =	vadd.f32 v2, v5;
	v5 =	vld [tilespmem:s22+$0x5D00];
	v0 =	vadd.f32 v1, v0  }
0x1ce: {  	v1 =	vld [tilespmem:s23+$0x6380]  }
0x1cf: {  	v2 =	vadd.f32 v6, v2;
	v6 =	vld [tilespmem:s22+$0x5D80];
	v0 =	vadd.f32 v3, v0  }
0x1d0: {  	v3 =	vld [tilespmem:s23+$0x6400]  }
0x1d1: {  	v2 =	vadd.f32 v7, v2;
	v7 =	vld [tilespmem:s22+$0x5E00];
	v0 =	vadd.f32 v4, v0  }
0x1d2: {  	v4 =	vld [tilespmem:s23+$0x6480]  }
0x1d3: {  	v2 =	vadd.f32 v5, v2;
	v5 =	vld [tilespmem:s22+$0x5E80];
	v0 =	vadd.f32 v1, v0  }
0x1d4: {  	v1 =	vld [tilespmem:s23+$0x6500]  }
0x1d5: {  	v2 =	vadd.f32 v6, v2;
	v6 =	vld [tilespmem:s22+$0x5F00];
	v0 =	vadd.f32 v3, v0  }
0x1d6: {  	v3 =	vld [tilespmem:s23+$0x6580]  }
0x1d7: {  	v2 =	vadd.f32 v7, v2;
	v7 =	vld [tilespmem:s22+$0x5F80];
	v0 =	vadd.f32 v4, v0  }
0x1d8: {  	v4 =	vld [tilespmem:s23+$0x6600]  }
0x1d9: {  	v2 =	vadd.f32 v5, v2;
	v5 =	vld [tilespmem:s22+$0x6000];
	v0 =	vadd.f32 v1, v0  }
0x1da: {  	v1 =	vld [tilespmem:s23+$0x6680]  }
0x1db: {  	v8 =	vld [tilespmem:s22+$0x6080];
	v2 =	vadd.f32 v6, v2;
	v0 =	vadd.f32 v3, v0  }
0x1dc: {  	v6 =	vld [tilespmem:s23+$0x6700]  }
0x1dd: {  	v3 =	vld [tilespmem:s22+$0x6100];
	v7 =	vadd.f32 v7, v2;
	v4 =	vadd.f32 v4, v0  }
0x1de: {  	v2 =	vld [tilespmem:s23+$0x6780]  }
0x1df: {  	v0 =	vld [tilespmem:s22+$0x6200];
	v5 =	vadd.f32 v5, v7;
	v7 =	vadd.f32 v1, v4  }
0x1e0: {  	s24 =	simm.s32 $0x20;
	v4 =	vld [tilespmem:s22+$0x6180]  }
0x1e1: {  	s25 =	simm.s32 $0xC0;
	v1 =	vld [tilespmem:s24+$0x5B00];
	v5 =	vadd.f32 v8, v5;
	v6 =	vadd.f32 v6, v7  }
.LBB2_8:
0x1e2: {  	p0 =	sne.s32 s25, $0x1C0;
	v7 =	vld [tilespmem:s24+$0x5B80]  }
0x1e3: {  	v3 =	vadd.f32 v3, v5;
	v5 =	vld [tilespmem:s22+$0x6280];
	v2 =	vadd.f32 v2, v6  }
0x1e4: {  	v6 =	vld [tilespmem:s24+$0x5C00]  }
0x1e5: {  	v3 =	vadd.f32 v4, v3;
	v4 =	vld [tilespmem:s22+$0x6300];
	[tilespmem:s23+$0x6980] =	vst v2;
	s23 =	smov.u32 s22;
	s22 =	smov.u32 s24  }
0x1e6: {  	v2 =	vld [tilespmem:s22+$0x5C80]  }
0x1e7: {  	v1 =	vadd.f32 v7, v1;
	v0 =	vadd.f32 v0, v3;
	v3 =	vld [tilespmem:s23+$0x6380]  }
0x1e8: {  	v7 =	vld [tilespmem:s22+$0x5D00]  }
0x1e9: {  	v1 =	vadd.f32 v6, v1;
	v0 =	vadd.f32 v5, v0;
	v5 =	vld [tilespmem:s23+$0x6400]  }
0x1ea: {  	v6 =	vld [tilespmem:s22+$0x5D80]  }
0x1eb: {  	v1 =	vadd.f32 v2, v1;
	v0 =	vadd.f32 v4, v0;
	v2 =	vld [tilespmem:s23+$0x6480]  }
0x1ec: {  	v4 =	vld [tilespmem:s22+$0x5E00]  }
0x1ed: {  	v1 =	vadd.f32 v7, v1;
	v0 =	vadd.f32 v3, v0;
	v3 =	vld [tilespmem:s23+$0x6500]  }
0x1ee: {  	v7 =	vld [tilespmem:s22+$0x5E80]  }
0x1ef: {  	v1 =	vadd.f32 v6, v1;
	v0 =	vadd.f32 v5, v0;
	v5 =	vld [tilespmem:s23+$0x6580]  }
0x1f0: {  	v6 =	vld [tilespmem:s22+$0x5F00]  }
0x1f1: {  	v1 =	vadd.f32 v4, v1;
	v0 =	vadd.f32 v2, v0;
	v2 =	vld [tilespmem:s23+$0x6600]  }
0x1f2: {  	v4 =	vld [tilespmem:s22+$0x5F80]  }
0x1f3: {  	v1 =	vadd.f32 v7, v1;
	v0 =	vadd.f32 v3, v0;
	v7 =	vld [tilespmem:s23+$0x6680]  }
0x1f4: {  	v8 =	vld [tilespmem:s22+$0x6000]  }
0x1f5: {  	v1 =	vadd.f32 v6, v1;
	v0 =	vadd.f32 v5, v0;
	v6 =	vld [tilespmem:s23+$0x6700]  }
0x1f6: {  	v5 =	vld [tilespmem:s22+$0x6080]  }
.Ltmp3:
0x1f7: {  	v1 =	vadd.f32 v4, v1;
	v4 =	vadd.f32 v2, v0;
	v2 =	vld [tilespmem:s23+$0x6780];
	(pc) =	sbr.rel @p0 .LBB2_8-.Ltmp3, $4  }
0x1f8: {  	v3 =	vld [tilespmem:s22+$0x6100]  }
0x1f9: {  	v8 =	vadd.f32 v8, v1;
	v0 =	vld [tilespmem:s22+$0x6200];
	v7 =	vadd.f32 v7, v4  }
0x1fa: {  	s24 =	sshra.s32 s25, $0x2;
	v4 =	vld [tilespmem:s22+$0x6180]  }
0x1fb: {  	s25 =	sadd.s32 $0x40, s25;
	v1 =	vld [tilespmem:s24+$0x5B00];
	v5 =	vadd.f32 v5, v8;
	v6 =	vadd.f32 v6, v7  }
0x1fc: {  	v7 =	vld [tilespmem:s24+$0x5B80]  }
0x1fd: {  	v8 =	vld [tilespmem:s22+$0x6280];
	v2 =	vadd.f32 v2, v6  }
0x1fe: {  	v31 =	vld [tilespmem:s24+$0x5C00]  }
0x1ff: {  	v9 =	vld [tilespmem:s22+$0x6300];
	v3 =	vadd.f32 v3, v5;
	[tilespmem:s23+$0x6980] =	vst v2  }
0x200: {  	v2 =	vld [tilespmem:s24+$0x5C80]  }
0x201: {  	v3 =	vadd.f32 v4, v3;
	v1 =	vadd.f32 v7, v1  }
0x202: {  	v32 =	vld [tilespmem:s24+$0x5D00]  }
0x203: {  	v33 =	vld [tilespmem:s22+$0x6380];
	v0 =	vadd.f32 v0, v3;
	v1 =	vadd.f32 v31, v1  }
0x204: {  	v34 =	vld [tilespmem:s24+$0x5D80]  }
0x205: {  	v35 =	vld [tilespmem:s22+$0x6400];
	v0 =	vadd.f32 v8, v0;
	v1 =	vadd.f32 v2, v1  }
0x206: {  	v36 =	vld [tilespmem:s24+$0x5E00]  }
0x207: {  	v37 =	vld [tilespmem:s22+$0x6480];
	v0 =	vadd.f32 v9, v0;
	v1 =	vadd.f32 v32, v1  }
0x208: {  	v38 =	vld [tilespmem:s24+$0x5E80]  }
0x209: {  	v39 =	vld [tilespmem:s22+$0x6500];
	v0 =	vadd.f32 v33, v0;
	v1 =	vadd.f32 v34, v1  }
0x20a: {  	v40 =	vld [tilespmem:s24+$0x5F00]  }
0x20b: {  	v41 =	vld [tilespmem:s22+$0x6580];
	v0 =	vadd.f32 v35, v0;
	v1 =	vadd.f32 v36, v1  }
0x20c: {  	v42 =	vld [tilespmem:s24+$0x5F80]  }
0x20d: {  	v43 =	vld [tilespmem:s22+$0x6600];
	v0 =	vadd.f32 v37, v0;
	v1 =	vadd.f32 v38, v1  }
0x20e: {  	v44 =	vld [tilespmem:s24+$0x6000]  }
0x20f: {  	v45 =	vld [tilespmem:s22+$0x6680];
	v0 =	vadd.f32 v39, v0;
	v1 =	vadd.f32 v40, v1  }
0x210: {  	v46 =	vld [tilespmem:s24+$0x6080]  }
0x211: {  	v47 =	vld [tilespmem:s22+$0x6700];
	v0 =	vadd.f32 v41, v0;
	v1 =	vadd.f32 v42, v1  }
0x212: {  	v48 =	vld [tilespmem:s24+$0x6100]  }
0x213: {  	v49 =	vld [tilespmem:s22+$0x6780];
	v0 =	vadd.f32 v43, v0;
	v1 =	vadd.f32 v44, v1  }
0x214: {  	v50 =	vld [tilespmem:s24+$0x6180]  }
0x215: {  	v0 =	vadd.f32 v45, v0;
	v1 =	vadd.f32 v46, v1  }
0x216: {  	v51 =	vld [tilespmem:s24+$0x6200]  }
0x217: {  	v0 =	vadd.f32 v47, v0;
	v1 =	vadd.f32 v48, v1  }
0x218: {  	v52 =	vld [tilespmem:s24+$0x6280]  }
0x219: {  	v0 =	vadd.f32 v49, v0;
	v1 =	vadd.f32 v50, v1  }
0x21a: {  	v53 =	vld [tilespmem:s24+$0x6300]  }
0x21b: {  	[tilespmem:s22+$0x6980] =	vst v0;
	v54 =	vadd.f32 v51, v1  }
0x21c: {  	v55 =	vld [tilespmem:s24+$0x6380]  }
0x21d: {  	v0 =	vadd.f32 v52, v54  }
0x21e: {  	v56 =	vld [tilespmem:s24+$0x6400]  }
0x21f: {  	v0 =	vadd.f32 v53, v0  }
0x220: {  	v57 =	vld [tilespmem:s24+$0x6480]  }
0x221: {  	v0 =	vadd.f32 v55, v0  }
0x222: {  	v58 =	vld [tilespmem:s24+$0x6500]  }
0x223: {  	v0 =	vadd.f32 v56, v0  }
0x224: {  	v59 =	vld [tilespmem:s24+$0x6580]  }
0x225: {  	v0 =	vadd.f32 v57, v0  }
0x226: {  	v60 =	vld [tilespmem:s24+$0x6600]  }
0x227: {  	v0 =	vadd.f32 v58, v0  }
0x228: {  	v61 =	vld [tilespmem:s24+$0x6680]  }
0x229: {  	v0 =	vadd.f32 v59, v0  }
0x22a: {  	v62 =	vld [tilespmem:s24+$0x6700]  }
0x22b: {  	v0 =	vadd.f32 v60, v0  }
0x22c: {  	v63 =	vld [tilespmem:s24+$0x6780]  }
0x22d: {  	v0 =	vadd.f32 v61, v0;
	_ =	sdelay $0x1  }
0x22e: {  	v0 =	vadd.f32 v62, v0;
	_ =	sdelay $0x1  }
0x22f: {  	s21 =	sadd.s32 $0x1, s21;
	v0 =	vadd.f32 v63, v0  }
0x230: {  	p0 =	sne.s32 s21, s7  }
.Ltmp4:
0x231: {  	[tilespmem:s24+$0x6980] =	vst v0;
	(pc) =	sbr.rel @p0 .LBB2_1-.Ltmp4, $4  }
0x232: {  	[hbm4b:s6+s3] =	stream.linear.scatter [tilespmem:s20], [sflag:$0x5], $0x200, $0x38;
	[tilespmem:$0x6A00] =	vst v63  }
0x233: {  	_ =	swait.ge [sflag:s8], $0x200  }
0x234: {  	[sflag:s8] =	ssyncset.done $0x0  }
0x235: {  	[sflag:s8] =	ssyncadd.s32 $0xFFFFFE00  }
0x236: {  	_ =	sfence.sel $0x180000  }
0x237: {  	[bflag:$0x0] =	sbarrier.arrive $0xFFFF  }
0x238: {  	p0 =	sne.s32 s0, $0x0;
	_ =	strace $0x90000047  }
0x239: {  	s0 =	sadd.s32 @!p0 $0x100000, s1;
	[bflag:$0x2] =	sbarrier.arrive $0xFFFF  }
0x23a: {  	[sflag:s0] =	ssyncadd.tile.s32 @!p0 $0x1;
	_ =	shalt  }
.Lfunc_end2:
_tile_overlayer_lowered:
.L_overlay_start_2:
0x23b: {  	(tag) =	ssettag $0x2  }
0x23c: {  	s0 =	rddreg [dreg:$0x0];
	s2 =	stileid.u32  }
0x23d: {  	s1 =	rddreg [dreg:$0x1];
	p0 =	sne.s32 s2, $0x0  }
0x23e: {  	s3 =	rddreg [dreg:$0x2];
	[bflag:$0x3] =	sbarrier.arrive $0xFFFF;
	s2 =	simm.s32 @!p0 $0x1C05  }
0x23f: {  	[timem:s3], [sflag:s2] =	dma.local @!p0 [hbm:s0], s1  }
0x240: {  	s0 =	simm.s32 @!p0 $0x5  }
0x241: {  	_ =	swait.ge @!p0 [sflag:s0], s1  }
0x242: {  	s1 =	ssub.s32 @!p0 $0x0, s1;
	[sflag:s0] =	ssyncset.done @!p0 $0x0  }
0x243: {  	[sflag:s0] =	ssyncadd.s32 @!p0 s1  }
0x244: {  	[bflag:$0x3] =	sbarrier.arrive $0xFFFF  }
0x245: {  	_ =	shalt  }

</sc_bundles>
